<compile_context>
chip_gen: v7x
topology: tpu7x:2x2x1
jax: 0.10.2.dev20260603
libtpu: 0.0.44.dev20260713+nightly
codegen_flags: <defaults>
</compile_context>

<pallas_src>
import functools

import jax
import jax.numpy as jnp
from jax import lax
from jax.experimental import pallas as pl
from jax.experimental.pallas import tpu as pltpu
from jax.experimental.pallas import tpu_sc as plsc

_B = 4
_N = 4096
_H = 0.0005
_K = 8
_NC = 2
_NS = 16
_NW = _NC * _NS
_ROWS_PER_W = (_B * _N) // _NW
_GROUPS = _ROWS_PER_W // 16
_CHUNKS = _N // 16
_TILES_PER_B = _NW // _B
_BIG = 3.0e38


def _body(xr_hbm, sq_hbm, out_hbm, x0v, x1v, x2v, sqv, ans_v, corr_s):
    cid = lax.axis_index("c")
    sid = lax.axis_index("s")
    wid = sid * _NC + cid
    b = wid // _TILES_PER_B
    seg = wid % _TILES_PER_B

    base = b * (3 * _N)
    pltpu.sync_copy(xr_hbm.at[pl.ds(base, _N)], x0v)
    pltpu.sync_copy(xr_hbm.at[pl.ds(base + _N, _N)], x1v)
    pltpu.sync_copy(xr_hbm.at[pl.ds(base + 2 * _N, _N)], x2v)
    pltpu.sync_copy(sq_hbm.at[pl.ds(b * _N, _N)], sqv)

    corr_s[0] = jnp.float32(0.0)
    lane = jax.lax.iota(jnp.int32, 16)

    def dist_chunk(q0d, q1d, q2d, sqq, jo):
        r0 = x0v[pl.ds(jo, 16)]
        r1 = x1v[pl.ds(jo, 16)]
        r2 = x2v[pl.ds(jo, 16)]
        sqj = sqv[pl.ds(jo, 16)]
        dot2 = (q0d * r0 + q1d * r1) + q2d * r2
        dd = (sqq + sqj) - dot2
        return jnp.maximum(dd, 0.0)

    def row_step(qv0, qv1, qv2, sqg, r, carry):
        acc, csum, msum = carry
        ridx = jnp.full((16,), 0, jnp.int32) + r
        q0d = jnp.take_along_axis(qv0, ridx, axis=0) * 2.0
        q1d = jnp.take_along_axis(qv1, ridx, axis=0) * 2.0
        q2d = jnp.take_along_axis(qv2, ridx, axis=0) * 2.0
        sqq = jnp.take_along_axis(sqg, ridx, axis=0)

        def chunk_step(jb, carry_c):
            a, dmin = carry_c
            dd = dist_chunk(q0d, q1d, q2d, sqq, jb * 16)
            a = a + jnp.where(dd < _H, jnp.float32(_H + 0.03125) - dd, 0.0)
            dmin = jnp.minimum(dmin, dd)
            return a, dmin

        a, dmin = lax.fori_loop(
            0, _CHUNKS, chunk_step,
            (jnp.zeros((16,), jnp.float32),
             jnp.full((16,), _BIG, jnp.float32)), unroll=8)
        a_row = lax.reduce_sum(a, axes=(0,))
        c_int = (a_row * 32.0 + 0.25).astype(jnp.int32).astype(jnp.float32)
        c_est = c_int * jnp.float32(0.03125)
        dmin_row = lax.reduce_min(dmin, axes=(0,))
        mrow = jnp.maximum(jnp.float32(_H) - dmin_row, 0.0)

        @pl.when(c_int > jnp.float32(_K) + 0.5)
        def _fallback():
            exs = []
            fb = jnp.float32(0.0)
            for r8 in range(_K):
                def estep(jb, carry_e, exs=tuple(exs)):
                    lmin, lj = carry_e
                    jo = jb * 16
                    jvec = jo + lane
                    dd = dist_chunk(q0d, q1d, q2d, sqq, jo)
                    valid = jnp.full((16,), True)
                    for e in exs:
                        valid = jnp.logical_and(valid, jvec != e)
                    ddv = jnp.where(valid, dd, _BIG)
                    better = ddv < lmin
                    lmin = jnp.where(better, ddv, lmin)
                    lj = jnp.where(better, jvec, lj)
                    return lmin, lj

                lmin, lj = lax.fori_loop(
                    0, _CHUNKS, estep,
                    (jnp.full((16,), _BIG, jnp.float32),
                     jnp.full((16,), -1, jnp.int32)))
                mval = lax.reduce_min(lmin, axes=(0,))
                jm = lax.reduce_min(
                    jnp.where(lmin == mval, lj, jnp.int32(2**30)), axes=(0,))
                exs.append(jm)
                if r8 > 0:
                    fb = fb + jnp.maximum(jnp.float32(_H) - mval, 0.0)
            corr_s[0] = corr_s[0] + (fb - ((a_row - c_est) - mrow))

        return acc + a, csum + c_est, msum + mrow

    def group_step(g, carry):
        qbase = seg * _ROWS_PER_W + g * 16
        qv0 = x0v[pl.ds(qbase, 16)]
        qv1 = x1v[pl.ds(qbase, 16)]
        qv2 = x2v[pl.ds(qbase, 16)]
        sqg = sqv[pl.ds(qbase, 16)]
        return lax.fori_loop(
            0, 16, functools.partial(row_step, qv0, qv1, qv2, sqg), carry)

    acc, csum, msum = lax.fori_loop(
        0, _GROUPS, group_step,
        (jnp.zeros((16,), jnp.float32), jnp.float32(0.0), jnp.float32(0.0)))
    total = lax.reduce_sum(acc, axes=(0,)) - csum - msum + corr_s[0]
    ans_v[...] = jnp.where(lane == 0, total, 0.0)
    pltpu.sync_copy(ans_v, out_hbm.at[wid])


@jax.jit
def kernel(x):
    sq = jnp.sum(x * x, axis=-1).reshape(-1)
    xr = lax.reduce_precision(x, exponent_bits=8, mantissa_bits=7)
    xt = jnp.transpose(xr, (0, 2, 1)).reshape(-1)
    mesh = plsc.VectorSubcoreMesh(
        core_axis_name="c", subcore_axis_name="s",
        num_cores=_NC, num_subcores=_NS)
    part = pl.kernel(
        _body,
        out_type=jax.ShapeDtypeStruct((_NW, 16), jnp.float32),
        mesh=mesh,
        scratch_types=[
            pltpu.VMEM((_N,), jnp.float32),
            pltpu.VMEM((_N,), jnp.float32),
            pltpu.VMEM((_N,), jnp.float32),
            pltpu.VMEM((_N,), jnp.float32),
            pltpu.VMEM((16,), jnp.float32),
            pltpu.SMEM((1,), jnp.float32),
        ],
        compiler_params=pltpu.CompilerParams(needs_layout_passes=False),
    )(xt, sq)
    return jnp.sum(part) / float(_B * _N * (_K - 1))

# --- scband reference (transcript-rebuilt; emitter-appended) ---
"""Pipeline reference for scband-repulsion-loss-66563403153930 (READ-ONLY COPY).

The authoritative reference and input builder live on the scoring server;
editing this copy changes nothing except your own understanding.
"""

import jax, jax.numpy as jnp
import numpy as np

K = 8

def setup_inputs(seed: int = 0) -> dict:
    key = jax.random.key(seed)
    x = jax.random.normal(key, (4, 4096, 3), dtype=jnp.float32)
    return {"x": x}

def reference(x):
    h = 0.0005
    # KNN(k, transpose_mode=True)(ref=x, query=x): for each query point,
    # the k nearest reference points sorted ascending by euclidean distance.
    # squared pairwise distances [B, N, N]
    sq = jnp.sum(x * x, axis=-1)
    d2 = sq[:, :, None] + sq[:, None, :] - 2.0 * jnp.einsum('bnc,bmc->bnm', x, x)
    d2 = jnp.clip(d2, 0.0, None)
    # k smallest distances per query point (ascending) via top_k on negated d2
    neg_vals, idx = jax.lax.top_k(-d2, K)
    d2_knn = jnp.clip(-neg_vals, 0.0, None)  # [B, N, K] ascending squared dists
    # original: dist = sqrt(d2); dist[:, :, 1:k] ** 2  ==  d2_knn[:, :, 1:k]
    dsq = d2_knn[:, :, 1:K]
    loss = jnp.maximum(-dsq + h, 0.0)
    return jnp.mean(loss)

if __name__ == "__main__":
    import jax
    _d = setup_inputs()
    print(jax.jit(kernel)(*tuple(_d.values())))

</pallas_src>

<mosaic_0001>
#map = affine_map<(d0, d1) -> (0)>
#map1 = affine_map<(d0, d1) -> (0, 0)>
module attributes {stable_mosaic.version = 14 : i64} {
  func.func @_body(%arg0: i32, %arg1: i32, %arg2: memref<49152xf32, #tpu.memory_space<hbm>>, %arg3: memref<16384xf32, #tpu.memory_space<hbm>>, %arg4: memref<32x16xf32, #tpu.memory_space<hbm>>, %arg5: memref<4096xf32, #tpu.memory_space<vmem>>, %arg6: memref<4096xf32, #tpu.memory_space<vmem>>, %arg7: memref<4096xf32, #tpu.memory_space<vmem>>, %arg8: memref<4096xf32, #tpu.memory_space<vmem>>, %arg9: memref<16xf32, #tpu.memory_space<vmem>>, %arg10: memref<1xf32, #tpu.memory_space<smem>>) attributes {dimension_semantics = [#tpu.dimension_semantics<core_parallel>, #tpu.dimension_semantics<subcore_parallel>], iteration_bounds = array<i64: 2, 16>, scalar_prefetch = 0 : i64, scratch_operands = 6 : i64, tpu.core_type = #tpu.core_type<sc_vector_subcore>, window_params = [{transform_indices = #map}, {transform_indices = #map}, {transform_indices = #map1}]} {
    %mul3A = arith.constant 2 : i32
    %mul3A_0 = arith.muli %arg1, %mul3A : i32
    %add3A = arith.addi %mul3A_0, %arg0 : i32
    %jit3A = arith.constant 8 : i32
    %div3A = arith.divsi %add3A, %jit3A : i32
    %sign3A = arith.constant 0 : i32
    %sign3A_1 = arith.cmpi sgt, %add3A, %sign3A : i32
    %sign3A_2 = arith.extui %sign3A_1 : i1 to i32
    %sign3A_3 = arith.constant 0 : i32
    %sign3A_4 = arith.cmpi slt, %add3A, %sign3A_3 : i32
    %sign3A_5 = arith.extui %sign3A_4 : i1 to i32
    %sign3A_6 = arith.subi %sign3A_2, %sign3A_5 : i32
    %sign3A_7 = arith.constant 0 : i32
    %sign3A_8 = arith.cmpi sgt, %jit3A, %sign3A_7 : i32
    %sign3A_9 = arith.extui %sign3A_8 : i1 to i32
    %sign3A_10 = arith.constant 0 : i32
    %sign3A_11 = arith.cmpi slt, %jit3A, %sign3A_10 : i32
    %sign3A_12 = arith.extui %sign3A_11 : i1 to i32
    %sign3A_13 = arith.subi %sign3A_9, %sign3A_12 : i32
    %ne3A = arith.cmpi ne, %sign3A_6, %sign3A_13 : i32
    %rem3A = arith.remsi %add3A, %jit3A : i32
    %ne3A_14 = arith.constant 0 : i32
    %ne3A_15 = arith.cmpi ne, %rem3A, %ne3A_14 : i32
    %and3A = arith.andi %ne3A, %ne3A_15 : i1
    %sub3A = arith.constant 1 : i32
    %sub3A_16 = arith.subi %div3A, %sub3A : i32
    %select_n3A = arith.select %and3A, %sub3A_16, %div3A : i32
    %jit3A_17 = arith.constant 8 : i32
    %eq3A = arith.constant 0 : i32
    %eq3A_18 = arith.cmpi eq, %jit3A_17, %eq3A : i32
    %jit3A_19 = arith.constant 1 : i32
    %select_n3A_20 = arith.select %eq3A_18, %jit3A_19, %jit3A_17 : i32
    %rem3A_21 = arith.remsi %add3A, %select_n3A_20 : i32
    %ne3A_22 = arith.constant 0 : i32
    %ne3A_23 = arith.cmpi ne, %rem3A_21, %ne3A_22 : i32
    %lt3A = arith.constant 0 : i32
    %lt3A_24 = arith.cmpi slt, %rem3A_21, %lt3A : i32
    %lt3A_25 = arith.constant 0 : i32
    %lt3A_26 = arith.cmpi slt, %select_n3A_20, %lt3A_25 : i32
    %ne3A_27 = arith.xori %lt3A_24, %lt3A_26 : i1
    %and3A_28 = arith.andi %ne3A_27, %ne3A_23 : i1
    %add3A_29 = arith.addi %rem3A_21, %select_n3A_20 : i32
    %select_n3A_30 = arith.select %and3A_28, %add3A_29, %rem3A_21 : i32
    %mul3A_31 = arith.constant 12288 : i32
    %mul3A_32 = arith.muli %select_n3A, %mul3A_31 : i32
    "tpu.region"() ({
      %run_scoped3A = tpu.sem_alloc : memref<!tpu.dma_semaphore, #tpu.memory_space<semaphore_mem>>
      %dma_start3A = tpu.memref_slice %arg2[%mul3A_32] : memref<49152xf32, #tpu.memory_space<hbm>> -> memref<4096xf32, #tpu.memory_space<hbm>>
      %dma_start3A_67 = tpu.memref_slice %arg2[%mul3A_32] : memref<49152xf32, #tpu.memory_space<hbm>> -> memref<4096xf32, #tpu.memory_space<hbm>>
      tpu.enqueue_dma source(%dma_start3A_67 : memref<4096xf32, #tpu.memory_space<hbm>>) target(%arg5 : memref<4096xf32, #tpu.memory_space<vmem>>) target_semaphore(%run_scoped3A : memref<!tpu.dma_semaphore, #tpu.memory_space<semaphore_mem>>)
      %dma_wait3A = tpu.memref_slice %arg2[%mul3A_32] : memref<49152xf32, #tpu.memory_space<hbm>> -> memref<4096xf32, #tpu.memory_space<hbm>>
      %dma_wait3A_68 = tpu.memref_slice %arg2[%mul3A_32] : memref<49152xf32, #tpu.memory_space<hbm>> -> memref<4096xf32, #tpu.memory_space<hbm>>
      tpu.wait_dma2 semaphore(%run_scoped3A : memref<!tpu.dma_semaphore, #tpu.memory_space<semaphore_mem>>) src(%dma_wait3A_68 : memref<4096xf32, #tpu.memory_space<hbm>>) dst(%arg5 : memref<4096xf32, #tpu.memory_space<vmem>>)
      tpu.yield
    }) : () -> ()
    %add3A_33 = arith.constant 4096 : i32
    %add3A_34 = arith.addi %mul3A_32, %add3A_33 : i32
    "tpu.region"() ({
      %run_scoped3A = tpu.sem_alloc : memref<!tpu.dma_semaphore, #tpu.memory_space<semaphore_mem>>
      %dma_start3A = tpu.memref_slice %arg2[%add3A_34] : memref<49152xf32, #tpu.memory_space<hbm>> -> memref<4096xf32, #tpu.memory_space<hbm>>
      %dma_start3A_67 = tpu.memref_slice %arg2[%add3A_34] : memref<49152xf32, #tpu.memory_space<hbm>> -> memref<4096xf32, #tpu.memory_space<hbm>>
      tpu.enqueue_dma source(%dma_start3A_67 : memref<4096xf32, #tpu.memory_space<hbm>>) target(%arg6 : memref<4096xf32, #tpu.memory_space<vmem>>) target_semaphore(%run_scoped3A : memref<!tpu.dma_semaphore, #tpu.memory_space<semaphore_mem>>)
      %dma_wait3A = tpu.memref_slice %arg2[%add3A_34] : memref<49152xf32, #tpu.memory_space<hbm>> -> memref<4096xf32, #tpu.memory_space<hbm>>
      %dma_wait3A_68 = tpu.memref_slice %arg2[%add3A_34] : memref<49152xf32, #tpu.memory_space<hbm>> -> memref<4096xf32, #tpu.memory_space<hbm>>
      tpu.wait_dma2 semaphore(%run_scoped3A : memref<!tpu.dma_semaphore, #tpu.memory_space<semaphore_mem>>) src(%dma_wait3A_68 : memref<4096xf32, #tpu.memory_space<hbm>>) dst(%arg6 : memref<4096xf32, #tpu.memory_space<vmem>>)
      tpu.yield
    }) : () -> ()
    %add3A_35 = arith.constant 8192 : i32
    %add3A_36 = arith.addi %mul3A_32, %add3A_35 : i32
    "tpu.region"() ({
      %run_scoped3A = tpu.sem_alloc : memref<!tpu.dma_semaphore, #tpu.memory_space<semaphore_mem>>
      %dma_start3A = tpu.memref_slice %arg2[%add3A_36] : memref<49152xf32, #tpu.memory_space<hbm>> -> memref<4096xf32, #tpu.memory_space<hbm>>
      %dma_start3A_67 = tpu.memref_slice %arg2[%add3A_36] : memref<49152xf32, #tpu.memory_space<hbm>> -> memref<4096xf32, #tpu.memory_space<hbm>>
      tpu.enqueue_dma source(%dma_start3A_67 : memref<4096xf32, #tpu.memory_space<hbm>>) target(%arg7 : memref<4096xf32, #tpu.memory_space<vmem>>) target_semaphore(%run_scoped3A : memref<!tpu.dma_semaphore, #tpu.memory_space<semaphore_mem>>)
      %dma_wait3A = tpu.memref_slice %arg2[%add3A_36] : memref<49152xf32, #tpu.memory_space<hbm>> -> memref<4096xf32, #tpu.memory_space<hbm>>
      %dma_wait3A_68 = tpu.memref_slice %arg2[%add3A_36] : memref<49152xf32, #tpu.memory_space<hbm>> -> memref<4096xf32, #tpu.memory_space<hbm>>
      tpu.wait_dma2 semaphore(%run_scoped3A : memref<!tpu.dma_semaphore, #tpu.memory_space<semaphore_mem>>) src(%dma_wait3A_68 : memref<4096xf32, #tpu.memory_space<hbm>>) dst(%arg7 : memref<4096xf32, #tpu.memory_space<vmem>>)
      tpu.yield
    }) : () -> ()
    %mul3A_37 = arith.constant 4096 : i32
    %mul3A_38 = arith.muli %select_n3A, %mul3A_37 : i32
    "tpu.region"() ({
      %run_scoped3A = tpu.sem_alloc : memref<!tpu.dma_semaphore, #tpu.memory_space<semaphore_mem>>
      %dma_start3A = tpu.memref_slice %arg3[%mul3A_38] : memref<16384xf32, #tpu.memory_space<hbm>> -> memref<4096xf32, #tpu.memory_space<hbm>>
      %dma_start3A_67 = tpu.memref_slice %arg3[%mul3A_38] : memref<16384xf32, #tpu.memory_space<hbm>> -> memref<4096xf32, #tpu.memory_space<hbm>>
      tpu.enqueue_dma source(%dma_start3A_67 : memref<4096xf32, #tpu.memory_space<hbm>>) target(%arg8 : memref<4096xf32, #tpu.memory_space<vmem>>) target_semaphore(%run_scoped3A : memref<!tpu.dma_semaphore, #tpu.memory_space<semaphore_mem>>)
      %dma_wait3A = tpu.memref_slice %arg3[%mul3A_38] : memref<16384xf32, #tpu.memory_space<hbm>> -> memref<4096xf32, #tpu.memory_space<hbm>>
      %dma_wait3A_68 = tpu.memref_slice %arg3[%mul3A_38] : memref<16384xf32, #tpu.memory_space<hbm>> -> memref<4096xf32, #tpu.memory_space<hbm>>
      tpu.wait_dma2 semaphore(%run_scoped3A : memref<!tpu.dma_semaphore, #tpu.memory_space<semaphore_mem>>) src(%dma_wait3A_68 : memref<4096xf32, #tpu.memory_space<hbm>>) dst(%arg8 : memref<4096xf32, #tpu.memory_space<vmem>>)
      tpu.yield
    }) : () -> ()
    %swap3A = arith.constant 0.000000e+00 : f32
    %swap3A_39 = arith.constant 0 : i32
    %swap3A_40 = arith.index_cast %swap3A_39 : i32 to index
    %swap3A_41 = memref.load %arg10[%swap3A_40] : memref<1xf32, #tpu.memory_space<smem>>
    memref.store %swap3A, %arg10[%swap3A_40] : memref<1xf32, #tpu.memory_space<smem>>
    %iota3A = tpu.iota {dimensions = array<i32: 0>} : vector<16xi32>
    %broadcast_in_dim3A = arith.constant 0.000000e+00 : f32
    %broadcast_in_dim3A_42 = vector.broadcast %broadcast_in_dim3A : f32 to vector<16xf32>
    %scan3A = arith.constant 0.000000e+00 : f32
    %scan3A_43 = arith.constant 0.000000e+00 : f32
    %scan3A_44 = arith.constant 0 : i32
    %scan3A_45 = arith.constant 32 : i32
    %scan3A_46 = arith.addi %scan3A_44, %scan3A_45 : i32
    %scan3A_47 = arith.constant 1 : i32
    %scan3A_48:3 = scf.for %scan3A_67 = %scan3A_44 to %scan3A_46 step %scan3A_47 iter_args(%scan3A_68 = %broadcast_in_dim3A_42, %scan3A_69 = %scan3A, %scan3A_70 = %scan3A_43) -> (vector<16xf32>, f32, f32)  : i32 {
      %mul3A_71 = arith.constant 512 : i32
      %mul3A_72 = arith.muli %select_n3A_30, %mul3A_71 : i32
      %mul3A_73 = arith.constant 16 : i32
      %mul3A_74 = arith.muli %scan3A_67, %mul3A_73 : i32
      %add3A_75 = arith.addi %mul3A_72, %mul3A_74 : i32
      %get3A_76 = arith.index_cast %add3A_75 : i32 to index
      %get3A_77 = tpu.vector_load %arg5[%get3A_76] {strides = array<i32>} : memref<4096xf32, #tpu.memory_space<vmem>>, vector<16xf32>,
      %get3A_78 = arith.index_cast %add3A_75 : i32 to index
      %get3A_79 = tpu.vector_load %arg6[%get3A_78] {strides = array<i32>} : memref<4096xf32, #tpu.memory_space<vmem>>, vector<16xf32>,
      %get3A_80 = arith.index_cast %add3A_75 : i32 to index
      %get3A_81 = tpu.vector_load %arg7[%get3A_80] {strides = array<i32>} : memref<4096xf32, #tpu.memory_space<vmem>>, vector<16xf32>,
      %get3A_82 = arith.index_cast %add3A_75 : i32 to index
      %get3A_83 = tpu.vector_load %arg8[%get3A_82] {strides = array<i32>} : memref<4096xf32, #tpu.memory_space<vmem>>, vector<16xf32>,
      %scan3A_84 = arith.constant 0 : i32
      %scan3A_85 = arith.constant 16 : i32
      %scan3A_86 = arith.addi %scan3A_84, %scan3A_85 : i32
      %scan3A_87 = arith.constant 1 : i32
      %scan3A_88:3 = scf.for %scan3A_90 = %scan3A_84 to %scan3A_86 step %scan3A_87 iter_args(%scan3A_91 = %scan3A_68, %scan3A_92 = %scan3A_69, %scan3A_93 = %scan3A_70) -> (vector<16xf32>, f32, f32)  : i32 {
        %broadcast_in_dim3A_94 = arith.constant 0 : i32
        %broadcast_in_dim3A_95 = vector.broadcast %broadcast_in_dim3A_94 : i32 to vector<16xi32>
        %add3A_96 = vector.broadcast %scan3A_90 : i32 to vector<16xi32>
        %add3A_97 = arith.addi %broadcast_in_dim3A_95, %add3A_96 : vector<16xi32>
        %lt3A_98 = arith.constant 0 : i32
        %lt3A_99 = vector.broadcast %lt3A_98 : i32 to vector<16xi32>
        %lt3A_100 = arith.cmpi slt, %add3A_97, %lt3A_99 : vector<16xi32>
        %add3A_101 = arith.constant 16 : i32
        %add3A_102 = vector.broadcast %add3A_101 : i32 to vector<16xi32>
        %add3A_103 = arith.addi %add3A_97, %add3A_102 : vector<16xi32>
        %select_n3A_104 = arith.select %lt3A_100, %add3A_103, %add3A_97 : vector<16xi1>, vector<16xi32>
        %reshape3A = vector.shape_cast %select_n3A_104 : vector<16xi32> to vector<16x1xi32>
        %gather3A = vector.shape_cast %reshape3A : vector<16x1xi32> to vector<16xi32>
        %gather3A_105 = tpu.dynamic_gather %get3A_77[%gather3A] in [0] : vector<16xf32>, vector<16xi32> -> vector<16xf32>
        %mul3A_106 = arith.constant 2.000000e+00 : f32
        %mul3A_107 = vector.broadcast %mul3A_106 : f32 to vector<16xf32>
        %mul3A_108 = arith.mulf %gather3A_105, %mul3A_107 : vector<16xf32>
        %lt3A_109 = arith.constant 0 : i32
        %lt3A_110 = vector.broadcast %lt3A_109 : i32 to vector<16xi32>
        %lt3A_111 = arith.cmpi slt, %add3A_97, %lt3A_110 : vector<16xi32>
        %add3A_112 = arith.constant 16 : i32
        %add3A_113 = vector.broadcast %add3A_112 : i32 to vector<16xi32>
        %add3A_114 = arith.addi %add3A_97, %add3A_113 : vector<16xi32>
        %select_n3A_115 = arith.select %lt3A_111, %add3A_114, %add3A_97 : vector<16xi1>, vector<16xi32>
        %reshape3A_116 = vector.shape_cast %select_n3A_115 : vector<16xi32> to vector<16x1xi32>
        %gather3A_117 = vector.shape_cast %reshape3A_116 : vector<16x1xi32> to vector<16xi32>
        %gather3A_118 = tpu.dynamic_gather %get3A_79[%gather3A_117] in [0] : vector<16xf32>, vector<16xi32> -> vector<16xf32>
        %mul3A_119 = arith.constant 2.000000e+00 : f32
        %mul3A_120 = vector.broadcast %mul3A_119 : f32 to vector<16xf32>
        %mul3A_121 = arith.mulf %gather3A_118, %mul3A_120 : vector<16xf32>
        %lt3A_122 = arith.constant 0 : i32
        %lt3A_123 = vector.broadcast %lt3A_122 : i32 to vector<16xi32>
        %lt3A_124 = arith.cmpi slt, %add3A_97, %lt3A_123 : vector<16xi32>
        %add3A_125 = arith.constant 16 : i32
        %add3A_126 = vector.broadcast %add3A_125 : i32 to vector<16xi32>
        %add3A_127 = arith.addi %add3A_97, %add3A_126 : vector<16xi32>
        %select_n3A_128 = arith.select %lt3A_124, %add3A_127, %add3A_97 : vector<16xi1>, vector<16xi32>
        %reshape3A_129 = vector.shape_cast %select_n3A_128 : vector<16xi32> to vector<16x1xi32>
        %gather3A_130 = vector.shape_cast %reshape3A_129 : vector<16x1xi32> to vector<16xi32>
        %gather3A_131 = tpu.dynamic_gather %get3A_81[%gather3A_130] in [0] : vector<16xf32>, vector<16xi32> -> vector<16xf32>
        %mul3A_132 = arith.constant 2.000000e+00 : f32
        %mul3A_133 = vector.broadcast %mul3A_132 : f32 to vector<16xf32>
        %mul3A_134 = arith.mulf %gather3A_131, %mul3A_133 : vector<16xf32>
        %lt3A_135 = arith.constant 0 : i32
        %lt3A_136 = vector.broadcast %lt3A_135 : i32 to vector<16xi32>
        %lt3A_137 = arith.cmpi slt, %add3A_97, %lt3A_136 : vector<16xi32>
        %add3A_138 = arith.constant 16 : i32
        %add3A_139 = vector.broadcast %add3A_138 : i32 to vector<16xi32>
        %add3A_140 = arith.addi %add3A_97, %add3A_139 : vector<16xi32>
        %select_n3A_141 = arith.select %lt3A_137, %add3A_140, %add3A_97 : vector<16xi1>, vector<16xi32>
        %reshape3A_142 = vector.shape_cast %select_n3A_141 : vector<16xi32> to vector<16x1xi32>
        %gather3A_143 = vector.shape_cast %reshape3A_142 : vector<16x1xi32> to vector<16xi32>
        %gather3A_144 = tpu.dynamic_gather %get3A_83[%gather3A_143] in [0] : vector<16xf32>, vector<16xi32> -> vector<16xf32>
        %broadcast_in_dim3A_145 = arith.constant 0.000000e+00 : f32
        %broadcast_in_dim3A_146 = vector.broadcast %broadcast_in_dim3A_145 : f32 to vector<16xf32>
        %broadcast_in_dim3A_147 = arith.constant 3.000000e+38 : f32
        %broadcast_in_dim3A_148 = vector.broadcast %broadcast_in_dim3A_147 : f32 to vector<16xf32>
        %scan3A_149 = arith.constant 0 : i32
        %scan3A_150 = arith.constant 256 : i32
        %scan3A_151 = arith.addi %scan3A_149, %scan3A_150 : i32
        %scan3A_152 = arith.constant 8 : i32
        %scan3A_153:2 = scf.for %scan3A_180 = %scan3A_149 to %scan3A_151 step %scan3A_152 iter_args(%scan3A_181 = %broadcast_in_dim3A_146, %scan3A_182 = %broadcast_in_dim3A_148) -> (vector<16xf32>, vector<16xf32>)  : i32 {
          %mul3A_183 = arith.constant 16 : i32
          %mul3A_184 = arith.muli %scan3A_180, %mul3A_183 : i32
          %get3A_185 = arith.index_cast %mul3A_184 : i32 to index
          %get3A_186 = tpu.vector_load %arg5[%get3A_185] {strides = array<i32>} : memref<4096xf32, #tpu.memory_space<vmem>>, vector<16xf32>,
          %get3A_187 = arith.index_cast %mul3A_184 : i32 to index
          %get3A_188 = tpu.vector_load %arg6[%get3A_187] {strides = array<i32>} : memref<4096xf32, #tpu.memory_space<vmem>>, vector<16xf32>,
          %get3A_189 = arith.index_cast %mul3A_184 : i32 to index
          %get3A_190 = tpu.vector_load %arg7[%get3A_189] {strides = array<i32>} : memref<4096xf32, #tpu.memory_space<vmem>>, vector<16xf32>,
          %get3A_191 = arith.index_cast %mul3A_184 : i32 to index
          %get3A_192 = tpu.vector_load %arg8[%get3A_191] {strides = array<i32>} : memref<4096xf32, #tpu.memory_space<vmem>>, vector<16xf32>,
          %mul3A_193 = arith.mulf %mul3A_108, %get3A_186 : vector<16xf32>
          %mul3A_194 = arith.mulf %mul3A_121, %get3A_188 : vector<16xf32>
          %add3A_195 = arith.addf %mul3A_193, %mul3A_194 : vector<16xf32>
          %mul3A_196 = arith.mulf %mul3A_134, %get3A_190 : vector<16xf32>
          %add3A_197 = arith.addf %add3A_195, %mul3A_196 : vector<16xf32>
          %add3A_198 = arith.addf %gather3A_144, %get3A_192 : vector<16xf32>
          %sub3A_199 = arith.subf %add3A_198, %add3A_197 : vector<16xf32>
          %max3A_200 = arith.constant 0.000000e+00 : f32
          %max3A_201 = vector.broadcast %max3A_200 : f32 to vector<16xf32>
          %max3A_202 = arith.maximumf %sub3A_199, %max3A_201 : vector<16xf32>
          %lt3A_203 = arith.constant 5.000000e-04 : f32
          %lt3A_204 = vector.broadcast %lt3A_203 : f32 to vector<16xf32>
          %lt3A_205 = arith.cmpf olt, %max3A_202, %lt3A_204 : vector<16xf32>
          %sub3A_206 = arith.constant 3.175000e-02 : f32
          %sub3A_207 = vector.broadcast %sub3A_206 : f32 to vector<16xf32>
          %sub3A_208 = arith.subf %sub3A_207, %max3A_202 : vector<16xf32>
          %jit3A_209 = arith.constant 0.000000e+00 : f32
          %broadcast_in_dim3A_210 = vector.broadcast %jit3A_209 : f32 to vector<16xf32>
          %select_n3A_211 = arith.select %lt3A_205, %sub3A_208, %broadcast_in_dim3A_210 : vector<16xi1>, vector<16xf32>
          %add3A_212 = arith.addf %scan3A_181, %select_n3A_211 : vector<16xf32>
          %min3A = arith.minimumf %scan3A_182, %max3A_202 : vector<16xf32>
          %scan3A_213 = arith.constant 1 : i32
          %scan3A_214 = arith.addi %scan3A_180, %scan3A_213 : i32
          %mul3A_215 = arith.constant 16 : i32
          %mul3A_216 = arith.muli %scan3A_214, %mul3A_215 : i32
          %get3A_217 = arith.index_cast %mul3A_216 : i32 to index
          %get3A_218 = tpu.vector_load %arg5[%get3A_217] {strides = array<i32>} : memref<4096xf32, #tpu.memory_space<vmem>>, vector<16xf32>,
          %get3A_219 = arith.index_cast %mul3A_216 : i32 to index
          %get3A_220 = tpu.vector_load %arg6[%get3A_219] {strides = array<i32>} : memref<4096xf32, #tpu.memory_space<vmem>>, vector<16xf32>,
          %get3A_221 = arith.index_cast %mul3A_216 : i32 to index
          %get3A_222 = tpu.vector_load %arg7[%get3A_221] {strides = array<i32>} : memref<4096xf32, #tpu.memory_space<vmem>>, vector<16xf32>,
          %get3A_223 = arith.index_cast %mul3A_216 : i32 to index
          %get3A_224 = tpu.vector_load %arg8[%get3A_223] {strides = array<i32>} : memref<4096xf32, #tpu.memory_space<vmem>>, vector<16xf32>,
          %mul3A_225 = arith.mulf %mul3A_108, %get3A_218 : vector<16xf32>
          %mul3A_226 = arith.mulf %mul3A_121, %get3A_220 : vector<16xf32>
          %add3A_227 = arith.addf %mul3A_225, %mul3A_226 : vector<16xf32>
          %mul3A_228 = arith.mulf %mul3A_134, %get3A_222 : vector<16xf32>
          %add3A_229 = arith.addf %add3A_227, %mul3A_228 : vector<16xf32>
          %add3A_230 = arith.addf %gather3A_144, %get3A_224 : vector<16xf32>
          %sub3A_231 = arith.subf %add3A_230, %add3A_229 : vector<16xf32>
          %max3A_232 = arith.constant 0.000000e+00 : f32
          %max3A_233 = vector.broadcast %max3A_232 : f32 to vector<16xf32>
          %max3A_234 = arith.maximumf %sub3A_231, %max3A_233 : vector<16xf32>
          %lt3A_235 = arith.constant 5.000000e-04 : f32
          %lt3A_236 = vector.broadcast %lt3A_235 : f32 to vector<16xf32>
          %lt3A_237 = arith.cmpf olt, %max3A_234, %lt3A_236 : vector<16xf32>
          %sub3A_238 = arith.constant 3.175000e-02 : f32
          %sub3A_239 = vector.broadcast %sub3A_238 : f32 to vector<16xf32>
          %sub3A_240 = arith.subf %sub3A_239, %max3A_234 : vector<16xf32>
          %jit3A_241 = arith.constant 0.000000e+00 : f32
          %broadcast_in_dim3A_242 = vector.broadcast %jit3A_241 : f32 to vector<16xf32>
          %select_n3A_243 = arith.select %lt3A_237, %sub3A_240, %broadcast_in_dim3A_242 : vector<16xi1>, vector<16xf32>
          %add3A_244 = arith.addf %add3A_212, %select_n3A_243 : vector<16xf32>
          %min3A_245 = arith.minimumf %min3A, %max3A_234 : vector<16xf32>
          %scan3A_246 = arith.constant 2 : i32
          %scan3A_247 = arith.addi %scan3A_180, %scan3A_246 : i32
          %mul3A_248 = arith.constant 16 : i32
          %mul3A_249 = arith.muli %scan3A_247, %mul3A_248 : i32
          %get3A_250 = arith.index_cast %mul3A_249 : i32 to index
          %get3A_251 = tpu.vector_load %arg5[%get3A_250] {strides = array<i32>} : memref<4096xf32, #tpu.memory_space<vmem>>, vector<16xf32>,
          %get3A_252 = arith.index_cast %mul3A_249 : i32 to index
          %get3A_253 = tpu.vector_load %arg6[%get3A_252] {strides = array<i32>} : memref<4096xf32, #tpu.memory_space<vmem>>, vector<16xf32>,
          %get3A_254 = arith.index_cast %mul3A_249 : i32 to index
          %get3A_255 = tpu.vector_load %arg7[%get3A_254] {strides = array<i32>} : memref<4096xf32, #tpu.memory_space<vmem>>, vector<16xf32>,
          %get3A_256 = arith.index_cast %mul3A_249 : i32 to index
          %get3A_257 = tpu.vector_load %arg8[%get3A_256] {strides = array<i32>} : memref<4096xf32, #tpu.memory_space<vmem>>, vector<16xf32>,
          %mul3A_258 = arith.mulf %mul3A_108, %get3A_251 : vector<16xf32>
          %mul3A_259 = arith.mulf %mul3A_121, %get3A_253 : vector<16xf32>
          %add3A_260 = arith.addf %mul3A_258, %mul3A_259 : vector<16xf32>
          %mul3A_261 = arith.mulf %mul3A_134, %get3A_255 : vector<16xf32>
          %add3A_262 = arith.addf %add3A_260, %mul3A_261 : vector<16xf32>
          %add3A_263 = arith.addf %gather3A_144, %get3A_257 : vector<16xf32>
          %sub3A_264 = arith.subf %add3A_263, %add3A_262 : vector<16xf32>
          %max3A_265 = arith.constant 0.000000e+00 : f32
          %max3A_266 = vector.broadcast %max3A_265 : f32 to vector<16xf32>
          %max3A_267 = arith.maximumf %sub3A_264, %max3A_266 : vector<16xf32>
          %lt3A_268 = arith.constant 5.000000e-04 : f32
          %lt3A_269 = vector.broadcast %lt3A_268 : f32 to vector<16xf32>
          %lt3A_270 = arith.cmpf olt, %max3A_267, %lt3A_269 : vector<16xf32>
          %sub3A_271 = arith.constant 3.175000e-02 : f32
          %sub3A_272 = vector.broadcast %sub3A_271 : f32 to vector<16xf32>
          %sub3A_273 = arith.subf %sub3A_272, %max3A_267 : vector<16xf32>
          %jit3A_274 = arith.constant 0.000000e+00 : f32
          %broadcast_in_dim3A_275 = vector.broadcast %jit3A_274 : f32 to vector<16xf32>
          %select_n3A_276 = arith.select %lt3A_270, %sub3A_273, %broadcast_in_dim3A_275 : vector<16xi1>, vector<16xf32>
          %add3A_277 = arith.addf %add3A_244, %select_n3A_276 : vector<16xf32>
          %min3A_278 = arith.minimumf %min3A_245, %max3A_267 : vector<16xf32>
          %scan3A_279 = arith.constant 3 : i32
          %scan3A_280 = arith.addi %scan3A_180, %scan3A_279 : i32
          %mul3A_281 = arith.constant 16 : i32
          %mul3A_282 = arith.muli %scan3A_280, %mul3A_281 : i32
          %get3A_283 = arith.index_cast %mul3A_282 : i32 to index
          %get3A_284 = tpu.vector_load %arg5[%get3A_283] {strides = array<i32>} : memref<4096xf32, #tpu.memory_space<vmem>>, vector<16xf32>,
          %get3A_285 = arith.index_cast %mul3A_282 : i32 to index
          %get3A_286 = tpu.vector_load %arg6[%get3A_285] {strides = array<i32>} : memref<4096xf32, #tpu.memory_space<vmem>>, vector<16xf32>,
          %get3A_287 = arith.index_cast %mul3A_282 : i32 to index
          %get3A_288 = tpu.vector_load %arg7[%get3A_287] {strides = array<i32>} : memref<4096xf32, #tpu.memory_space<vmem>>, vector<16xf32>,
          %get3A_289 = arith.index_cast %mul3A_282 : i32 to index
          %get3A_290 = tpu.vector_load %arg8[%get3A_289] {strides = array<i32>} : memref<4096xf32, #tpu.memory_space<vmem>>, vector<16xf32>,
          %mul3A_291 = arith.mulf %mul3A_108, %get3A_284 : vector<16xf32>
          %mul3A_292 = arith.mulf %mul3A_121, %get3A_286 : vector<16xf32>
          %add3A_293 = arith.addf %mul3A_291, %mul3A_292 : vector<16xf32>
          %mul3A_294 = arith.mulf %mul3A_134, %get3A_288 : vector<16xf32>
          %add3A_295 = arith.addf %add3A_293, %mul3A_294 : vector<16xf32>
          %add3A_296 = arith.addf %gather3A_144, %get3A_290 : vector<16xf32>
          %sub3A_297 = arith.subf %add3A_296, %add3A_295 : vector<16xf32>
          %max3A_298 = arith.constant 0.000000e+00 : f32
          %max3A_299 = vector.broadcast %max3A_298 : f32 to vector<16xf32>
          %max3A_300 = arith.maximumf %sub3A_297, %max3A_299 : vector<16xf32>
          %lt3A_301 = arith.constant 5.000000e-04 : f32
          %lt3A_302 = vector.broadcast %lt3A_301 : f32 to vector<16xf32>
          %lt3A_303 = arith.cmpf olt, %max3A_300, %lt3A_302 : vector<16xf32>
          %sub3A_304 = arith.constant 3.175000e-02 : f32
          %sub3A_305 = vector.broadcast %sub3A_304 : f32 to vector<16xf32>
          %sub3A_306 = arith.subf %sub3A_305, %max3A_300 : vector<16xf32>
          %jit3A_307 = arith.constant 0.000000e+00 : f32
          %broadcast_in_dim3A_308 = vector.broadcast %jit3A_307 : f32 to vector<16xf32>
          %select_n3A_309 = arith.select %lt3A_303, %sub3A_306, %broadcast_in_dim3A_308 : vector<16xi1>, vector<16xf32>
          %add3A_310 = arith.addf %add3A_277, %select_n3A_309 : vector<16xf32>
          %min3A_311 = arith.minimumf %min3A_278, %max3A_300 : vector<16xf32>
          %scan3A_312 = arith.constant 4 : i32
          %scan3A_313 = arith.addi %scan3A_180, %scan3A_312 : i32
          %mul3A_314 = arith.constant 16 : i32
          %mul3A_315 = arith.muli %scan3A_313, %mul3A_314 : i32
          %get3A_316 = arith.index_cast %mul3A_315 : i32 to index
          %get3A_317 = tpu.vector_load %arg5[%get3A_316] {strides = array<i32>} : memref<4096xf32, #tpu.memory_space<vmem>>, vector<16xf32>,
          %get3A_318 = arith.index_cast %mul3A_315 : i32 to index
          %get3A_319 = tpu.vector_load %arg6[%get3A_318] {strides = array<i32>} : memref<4096xf32, #tpu.memory_space<vmem>>, vector<16xf32>,
          %get3A_320 = arith.index_cast %mul3A_315 : i32 to index
          %get3A_321 = tpu.vector_load %arg7[%get3A_320] {strides = array<i32>} : memref<4096xf32, #tpu.memory_space<vmem>>, vector<16xf32>,
          %get3A_322 = arith.index_cast %mul3A_315 : i32 to index
          %get3A_323 = tpu.vector_load %arg8[%get3A_322] {strides = array<i32>} : memref<4096xf32, #tpu.memory_space<vmem>>, vector<16xf32>,
          %mul3A_324 = arith.mulf %mul3A_108, %get3A_317 : vector<16xf32>
          %mul3A_325 = arith.mulf %mul3A_121, %get3A_319 : vector<16xf32>
          %add3A_326 = arith.addf %mul3A_324, %mul3A_325 : vector<16xf32>
          %mul3A_327 = arith.mulf %mul3A_134, %get3A_321 : vector<16xf32>
          %add3A_328 = arith.addf %add3A_326, %mul3A_327 : vector<16xf32>
          %add3A_329 = arith.addf %gather3A_144, %get3A_323 : vector<16xf32>
          %sub3A_330 = arith.subf %add3A_329, %add3A_328 : vector<16xf32>
          %max3A_331 = arith.constant 0.000000e+00 : f32
          %max3A_332 = vector.broadcast %max3A_331 : f32 to vector<16xf32>
          %max3A_333 = arith.maximumf %sub3A_330, %max3A_332 : vector<16xf32>
          %lt3A_334 = arith.constant 5.000000e-04 : f32
          %lt3A_335 = vector.broadcast %lt3A_334 : f32 to vector<16xf32>
          %lt3A_336 = arith.cmpf olt, %max3A_333, %lt3A_335 : vector<16xf32>
          %sub3A_337 = arith.constant 3.175000e-02 : f32
          %sub3A_338 = vector.broadcast %sub3A_337 : f32 to vector<16xf32>
          %sub3A_339 = arith.subf %sub3A_338, %max3A_333 : vector<16xf32>
          %jit3A_340 = arith.constant 0.000000e+00 : f32
          %broadcast_in_dim3A_341 = vector.broadcast %jit3A_340 : f32 to vector<16xf32>
          %select_n3A_342 = arith.select %lt3A_336, %sub3A_339, %broadcast_in_dim3A_341 : vector<16xi1>, vector<16xf32>
          %add3A_343 = arith.addf %add3A_310, %select_n3A_342 : vector<16xf32>
          %min3A_344 = arith.minimumf %min3A_311, %max3A_333 : vector<16xf32>
          %scan3A_345 = arith.constant 5 : i32
          %scan3A_346 = arith.addi %scan3A_180, %scan3A_345 : i32
          %mul3A_347 = arith.constant 16 : i32
          %mul3A_348 = arith.muli %scan3A_346, %mul3A_347 : i32
          %get3A_349 = arith.index_cast %mul3A_348 : i32 to index
          %get3A_350 = tpu.vector_load %arg5[%get3A_349] {strides = array<i32>} : memref<4096xf32, #tpu.memory_space<vmem>>, vector<16xf32>,
          %get3A_351 = arith.index_cast %mul3A_348 : i32 to index
          %get3A_352 = tpu.vector_load %arg6[%get3A_351] {strides = array<i32>} : memref<4096xf32, #tpu.memory_space<vmem>>, vector<16xf32>,
          %get3A_353 = arith.index_cast %mul3A_348 : i32 to index
          %get3A_354 = tpu.vector_load %arg7[%get3A_353] {strides = array<i32>} : memref<4096xf32, #tpu.memory_space<vmem>>, vector<16xf32>,
          %get3A_355 = arith.index_cast %mul3A_348 : i32 to index
          %get3A_356 = tpu.vector_load %arg8[%get3A_355] {strides = array<i32>} : memref<4096xf32, #tpu.memory_space<vmem>>, vector<16xf32>,
          %mul3A_357 = arith.mulf %mul3A_108, %get3A_350 : vector<16xf32>
          %mul3A_358 = arith.mulf %mul3A_121, %get3A_352 : vector<16xf32>
          %add3A_359 = arith.addf %mul3A_357, %mul3A_358 : vector<16xf32>
          %mul3A_360 = arith.mulf %mul3A_134, %get3A_354 : vector<16xf32>
          %add3A_361 = arith.addf %add3A_359, %mul3A_360 : vector<16xf32>
          %add3A_362 = arith.addf %gather3A_144, %get3A_356 : vector<16xf32>
          %sub3A_363 = arith.subf %add3A_362, %add3A_361 : vector<16xf32>
          %max3A_364 = arith.constant 0.000000e+00 : f32
          %max3A_365 = vector.broadcast %max3A_364 : f32 to vector<16xf32>
          %max3A_366 = arith.maximumf %sub3A_363, %max3A_365 : vector<16xf32>
          %lt3A_367 = arith.constant 5.000000e-04 : f32
          %lt3A_368 = vector.broadcast %lt3A_367 : f32 to vector<16xf32>
          %lt3A_369 = arith.cmpf olt, %max3A_366, %lt3A_368 : vector<16xf32>
          %sub3A_370 = arith.constant 3.175000e-02 : f32
          %sub3A_371 = vector.broadcast %sub3A_370 : f32 to vector<16xf32>
          %sub3A_372 = arith.subf %sub3A_371, %max3A_366 : vector<16xf32>
          %jit3A_373 = arith.constant 0.000000e+00 : f32
          %broadcast_in_dim3A_374 = vector.broadcast %jit3A_373 : f32 to vector<16xf32>
          %select_n3A_375 = arith.select %lt3A_369, %sub3A_372, %broadcast_in_dim3A_374 : vector<16xi1>, vector<16xf32>
          %add3A_376 = arith.addf %add3A_343, %select_n3A_375 : vector<16xf32>
          %min3A_377 = arith.minimumf %min3A_344, %max3A_366 : vector<16xf32>
          %scan3A_378 = arith.constant 6 : i32
          %scan3A_379 = arith.addi %scan3A_180, %scan3A_378 : i32
          %mul3A_380 = arith.constant 16 : i32
          %mul3A_381 = arith.muli %scan3A_379, %mul3A_380 : i32
          %get3A_382 = arith.index_cast %mul3A_381 : i32 to index
          %get3A_383 = tpu.vector_load %arg5[%get3A_382] {strides = array<i32>} : memref<4096xf32, #tpu.memory_space<vmem>>, vector<16xf32>,
          %get3A_384 = arith.index_cast %mul3A_381 : i32 to index
          %get3A_385 = tpu.vector_load %arg6[%get3A_384] {strides = array<i32>} : memref<4096xf32, #tpu.memory_space<vmem>>, vector<16xf32>,
          %get3A_386 = arith.index_cast %mul3A_381 : i32 to index
          %get3A_387 = tpu.vector_load %arg7[%get3A_386] {strides = array<i32>} : memref<4096xf32, #tpu.memory_space<vmem>>, vector<16xf32>,
          %get3A_388 = arith.index_cast %mul3A_381 : i32 to index
          %get3A_389 = tpu.vector_load %arg8[%get3A_388] {strides = array<i32>} : memref<4096xf32, #tpu.memory_space<vmem>>, vector<16xf32>,
          %mul3A_390 = arith.mulf %mul3A_108, %get3A_383 : vector<16xf32>
          %mul3A_391 = arith.mulf %mul3A_121, %get3A_385 : vector<16xf32>
          %add3A_392 = arith.addf %mul3A_390, %mul3A_391 : vector<16xf32>
          %mul3A_393 = arith.mulf %mul3A_134, %get3A_387 : vector<16xf32>
          %add3A_394 = arith.addf %add3A_392, %mul3A_393 : vector<16xf32>
          %add3A_395 = arith.addf %gather3A_144, %get3A_389 : vector<16xf32>
          %sub3A_396 = arith.subf %add3A_395, %add3A_394 : vector<16xf32>
          %max3A_397 = arith.constant 0.000000e+00 : f32
          %max3A_398 = vector.broadcast %max3A_397 : f32 to vector<16xf32>
          %max3A_399 = arith.maximumf %sub3A_396, %max3A_398 : vector<16xf32>
          %lt3A_400 = arith.constant 5.000000e-04 : f32
          %lt3A_401 = vector.broadcast %lt3A_400 : f32 to vector<16xf32>
          %lt3A_402 = arith.cmpf olt, %max3A_399, %lt3A_401 : vector<16xf32>
          %sub3A_403 = arith.constant 3.175000e-02 : f32
          %sub3A_404 = vector.broadcast %sub3A_403 : f32 to vector<16xf32>
          %sub3A_405 = arith.subf %sub3A_404, %max3A_399 : vector<16xf32>
          %jit3A_406 = arith.constant 0.000000e+00 : f32
          %broadcast_in_dim3A_407 = vector.broadcast %jit3A_406 : f32 to vector<16xf32>
          %select_n3A_408 = arith.select %lt3A_402, %sub3A_405, %broadcast_in_dim3A_407 : vector<16xi1>, vector<16xf32>
          %add3A_409 = arith.addf %add3A_376, %select_n3A_408 : vector<16xf32>
          %min3A_410 = arith.minimumf %min3A_377, %max3A_399 : vector<16xf32>
          %scan3A_411 = arith.constant 7 : i32
          %scan3A_412 = arith.addi %scan3A_180, %scan3A_411 : i32
          %mul3A_413 = arith.constant 16 : i32
          %mul3A_414 = arith.muli %scan3A_412, %mul3A_413 : i32
          %get3A_415 = arith.index_cast %mul3A_414 : i32 to index
          %get3A_416 = tpu.vector_load %arg5[%get3A_415] {strides = array<i32>} : memref<4096xf32, #tpu.memory_space<vmem>>, vector<16xf32>,
          %get3A_417 = arith.index_cast %mul3A_414 : i32 to index
          %get3A_418 = tpu.vector_load %arg6[%get3A_417] {strides = array<i32>} : memref<4096xf32, #tpu.memory_space<vmem>>, vector<16xf32>,
          %get3A_419 = arith.index_cast %mul3A_414 : i32 to index
          %get3A_420 = tpu.vector_load %arg7[%get3A_419] {strides = array<i32>} : memref<4096xf32, #tpu.memory_space<vmem>>, vector<16xf32>,
          %get3A_421 = arith.index_cast %mul3A_414 : i32 to index
          %get3A_422 = tpu.vector_load %arg8[%get3A_421] {strides = array<i32>} : memref<4096xf32, #tpu.memory_space<vmem>>, vector<16xf32>,
          %mul3A_423 = arith.mulf %mul3A_108, %get3A_416 : vector<16xf32>
          %mul3A_424 = arith.mulf %mul3A_121, %get3A_418 : vector<16xf32>
          %add3A_425 = arith.addf %mul3A_423, %mul3A_424 : vector<16xf32>
          %mul3A_426 = arith.mulf %mul3A_134, %get3A_420 : vector<16xf32>
          %add3A_427 = arith.addf %add3A_425, %mul3A_426 : vector<16xf32>
          %add3A_428 = arith.addf %gather3A_144, %get3A_422 : vector<16xf32>
          %sub3A_429 = arith.subf %add3A_428, %add3A_427 : vector<16xf32>
          %max3A_430 = arith.constant 0.000000e+00 : f32
          %max3A_431 = vector.broadcast %max3A_430 : f32 to vector<16xf32>
          %max3A_432 = arith.maximumf %sub3A_429, %max3A_431 : vector<16xf32>
          %lt3A_433 = arith.constant 5.000000e-04 : f32
          %lt3A_434 = vector.broadcast %lt3A_433 : f32 to vector<16xf32>
          %lt3A_435 = arith.cmpf olt, %max3A_432, %lt3A_434 : vector<16xf32>
          %sub3A_436 = arith.constant 3.175000e-02 : f32
          %sub3A_437 = vector.broadcast %sub3A_436 : f32 to vector<16xf32>
          %sub3A_438 = arith.subf %sub3A_437, %max3A_432 : vector<16xf32>
          %jit3A_439 = arith.constant 0.000000e+00 : f32
          %broadcast_in_dim3A_440 = vector.broadcast %jit3A_439 : f32 to vector<16xf32>
          %select_n3A_441 = arith.select %lt3A_435, %sub3A_438, %broadcast_in_dim3A_440 : vector<16xi1>, vector<16xf32>
          %add3A_442 = arith.addf %add3A_409, %select_n3A_441 : vector<16xf32>
          %min3A_443 = arith.minimumf %min3A_410, %max3A_432 : vector<16xf32>
          scf.yield %add3A_442, %min3A_443 : vector<16xf32>, vector<16xf32>
        }
        %scan3A_154 = arith.constant 256 : i32
        %reduce_sum3A_155 = arith.constant true
        %reduce_sum3A_156 = vector.broadcast %reduce_sum3A_155 : i1 to vector<16xi1>
        %reduce_sum3A_157 = tpu.scan <sum>, %scan3A_153#0 masked %reduce_sum3A_156 : vector<16xf32>, vector<16xi1> -> vector<16xf32>
        %reduce_sum3A_158 = vector.extract %reduce_sum3A_157[15] : f32 from vector<16xf32>
        %mul3A_159 = arith.constant 3.200000e+01 : f32
        %mul3A_160 = arith.mulf %reduce_sum3A_158, %mul3A_159 : f32
        %add3A_161 = arith.constant 2.500000e-01 : f32
        %add3A_162 = arith.addf %mul3A_160, %add3A_161 : f32
        %convert_element_type3A = arith.fptosi %add3A_162 : f32 to i32
        %convert_element_type3A_163 = arith.sitofp %convert_element_type3A : i32 to f32
        %mul3A_164 = arith.constant 3.125000e-02 : f32
        %mul3A_165 = arith.mulf %convert_element_type3A_163, %mul3A_164 : f32
        %reduce_min3A = arith.constant true
        %reduce_min3A_166 = vector.broadcast %reduce_min3A : i1 to vector<16xi1>
        %reduce_min3A_167 = tpu.scan <min>, %scan3A_153#1 masked %reduce_min3A_166 : vector<16xf32>, vector<16xi1> -> vector<16xf32>
        %reduce_min3A_168 = vector.extract %reduce_min3A_167[15] : f32 from vector<16xf32>
        %sub3A_169 = arith.constant 5.000000e-04 : f32
        %sub3A_170 = arith.subf %sub3A_169, %reduce_min3A_168 : f32
        %max3A = arith.constant 0.000000e+00 : f32
        %max3A_171 = arith.maximumf %sub3A_170, %max3A : f32
        %add3A_172 = arith.constant 8.000000e+00 : f32
        %add3A_173 = arith.constant 5.000000e-01 : f32
        %add3A_174 = arith.addf %add3A_172, %add3A_173 : f32
        %gt3A = arith.cmpf ogt, %convert_element_type3A_163, %add3A_174 : f32
        %convert_element_type3A_175 = arith.extui %gt3A : i1 to i32
        %cond3A = arith.constant 0 : i32
        %cond3A_176 = arith.cmpi ne, %convert_element_type3A_175, %cond3A : i32
        scf.if %cond3A_176 {
          %broadcast_in_dim3A_180 = arith.constant 3.000000e+38 : f32
          %broadcast_in_dim3A_181 = vector.broadcast %broadcast_in_dim3A_180 : f32 to vector<16xf32>
          %broadcast_in_dim3A_182 = arith.constant -1 : i32
          %broadcast_in_dim3A_183 = vector.broadcast %broadcast_in_dim3A_182 : i32 to vector<16xi32>
          %scan3A_184 = arith.constant 0 : i32
          %scan3A_185 = arith.constant 256 : i32
          %scan3A_186 = arith.addi %scan3A_184, %scan3A_185 : i32
          %scan3A_187 = arith.constant 1 : i32
          %scan3A_188:2 = scf.for %scan3A_442 = %scan3A_184 to %scan3A_186 step %scan3A_187 iter_args(%scan3A_443 = %broadcast_in_dim3A_181, %scan3A_444 = %broadcast_in_dim3A_183) -> (vector<16xf32>, vector<16xi32>)  : i32 {
            %mul3A_445 = arith.constant 16 : i32
            %mul3A_446 = arith.muli %scan3A_442, %mul3A_445 : i32
            %add3A_447 = vector.broadcast %mul3A_446 : i32 to vector<16xi32>
            %add3A_448 = arith.addi %add3A_447, %iota3A : vector<16xi32>
            %get3A_449 = arith.index_cast %mul3A_446 : i32 to index
            %get3A_450 = tpu.vector_load %arg5[%get3A_449] {strides = array<i32>} : memref<4096xf32, #tpu.memory_space<vmem>>, vector<16xf32>,
            %get3A_451 = arith.index_cast %mul3A_446 : i32 to index
            %get3A_452 = tpu.vector_load %arg6[%get3A_451] {strides = array<i32>} : memref<4096xf32, #tpu.memory_space<vmem>>, vector<16xf32>,
            %get3A_453 = arith.index_cast %mul3A_446 : i32 to index
            %get3A_454 = tpu.vector_load %arg7[%get3A_453] {strides = array<i32>} : memref<4096xf32, #tpu.memory_space<vmem>>, vector<16xf32>,
            %get3A_455 = arith.index_cast %mul3A_446 : i32 to index
            %get3A_456 = tpu.vector_load %arg8[%get3A_455] {strides = array<i32>} : memref<4096xf32, #tpu.memory_space<vmem>>, vector<16xf32>,
            %mul3A_457 = arith.mulf %mul3A_108, %get3A_450 : vector<16xf32>
            %mul3A_458 = arith.mulf %mul3A_121, %get3A_452 : vector<16xf32>
            %add3A_459 = arith.addf %mul3A_457, %mul3A_458 : vector<16xf32>
            %mul3A_460 = arith.mulf %mul3A_134, %get3A_454 : vector<16xf32>
            %add3A_461 = arith.addf %add3A_459, %mul3A_460 : vector<16xf32>
            %add3A_462 = arith.addf %gather3A_144, %get3A_456 : vector<16xf32>
            %sub3A_463 = arith.subf %add3A_462, %add3A_461 : vector<16xf32>
            %max3A_464 = arith.constant 0.000000e+00 : f32
            %max3A_465 = vector.broadcast %max3A_464 : f32 to vector<16xf32>
            %max3A_466 = arith.maximumf %sub3A_463, %max3A_465 : vector<16xf32>
            %broadcast_in_dim3A_467 = arith.constant true
            %broadcast_in_dim3A_468 = vector.broadcast %broadcast_in_dim3A_467 : i1 to vector<16xi1>
            %jit3A_469 = arith.constant 3.000000e+38 : f32
            %broadcast_in_dim3A_470 = vector.broadcast %jit3A_469 : f32 to vector<16xf32>
            %select_n3A_471 = arith.select %broadcast_in_dim3A_468, %max3A_466, %broadcast_in_dim3A_470 : vector<16xi1>, vector<16xf32>
            %lt3A_472 = arith.cmpf olt, %select_n3A_471, %scan3A_443 : vector<16xf32>
            %select_n3A_473 = arith.select %lt3A_472, %select_n3A_471, %scan3A_443 : vector<16xi1>, vector<16xf32>
            %select_n3A_474 = arith.select %lt3A_472, %add3A_448, %scan3A_444 : vector<16xi1>, vector<16xi32>
            scf.yield %select_n3A_473, %select_n3A_474 : vector<16xf32>, vector<16xi32>
          }
          %scan3A_189 = arith.constant 256 : i32
          %reduce_min3A_190 = arith.constant true
          %reduce_min3A_191 = vector.broadcast %reduce_min3A_190 : i1 to vector<16xi1>
          %reduce_min3A_192 = tpu.scan <min>, %scan3A_188#0 masked %reduce_min3A_191 : vector<16xf32>, vector<16xi1> -> vector<16xf32>
          %reduce_min3A_193 = vector.extract %reduce_min3A_192[15] : f32 from vector<16xf32>
          %eq3A_194 = vector.broadcast %reduce_min3A_193 : f32 to vector<16xf32>
          %eq3A_195 = arith.cmpf oeq, %scan3A_188#0, %eq3A_194 : vector<16xf32>
          %jit3A_196 = arith.constant 1073741824 : i32
          %broadcast_in_dim3A_197 = vector.broadcast %jit3A_196 : i32 to vector<16xi32>
          %select_n3A_198 = arith.select %eq3A_195, %scan3A_188#1, %broadcast_in_dim3A_197 : vector<16xi1>, vector<16xi32>
          %reduce_min3A_199 = arith.constant true
          %reduce_min3A_200 = vector.broadcast %reduce_min3A_199 : i1 to vector<16xi1>
          %reduce_min3A_201 = arith.constant -2147483648 : i32
          %reduce_min3A_202 = vector.broadcast %reduce_min3A_201 : i32 to vector<16xi32>
          %reduce_min3A_203 = arith.xori %select_n3A_198, %reduce_min3A_202 : vector<16xi32>
          %reduce_min3A_204 = tpu.scan <min>, %reduce_min3A_203 masked %reduce_min3A_200 : vector<16xi32>, vector<16xi1> -> vector<16xi32>
          %reduce_min3A_205 = arith.xori %reduce_min3A_204, %reduce_min3A_202 : vector<16xi32>
          %reduce_min3A_206 = vector.extract %reduce_min3A_205[15] : i32 from vector<16xi32>
          %broadcast_in_dim3A_207 = arith.constant 3.000000e+38 : f32
          %broadcast_in_dim3A_208 = vector.broadcast %broadcast_in_dim3A_207 : f32 to vector<16xf32>
          %broadcast_in_dim3A_209 = arith.constant -1 : i32
          %broadcast_in_dim3A_210 = vector.broadcast %broadcast_in_dim3A_209 : i32 to vector<16xi32>
          %scan3A_211 = arith.constant 0 : i32
          %scan3A_212 = arith.constant 256 : i32
          %scan3A_213 = arith.addi %scan3A_211, %scan3A_212 : i32
          %scan3A_214 = arith.constant 1 : i32
          %scan3A_215:2 = scf.for %scan3A_442 = %scan3A_211 to %scan3A_213 step %scan3A_214 iter_args(%scan3A_443 = %broadcast_in_dim3A_208, %scan3A_444 = %broadcast_in_dim3A_210) -> (vector<16xf32>, vector<16xi32>)  : i32 {
            %mul3A_445 = arith.constant 16 : i32
            %mul3A_446 = arith.muli %scan3A_442, %mul3A_445 : i32
            %add3A_447 = vector.broadcast %mul3A_446 : i32 to vector<16xi32>
            %add3A_448 = arith.addi %add3A_447, %iota3A : vector<16xi32>
            %get3A_449 = arith.index_cast %mul3A_446 : i32 to index
            %get3A_450 = tpu.vector_load %arg5[%get3A_449] {strides = array<i32>} : memref<4096xf32, #tpu.memory_space<vmem>>, vector<16xf32>,
            %get3A_451 = arith.index_cast %mul3A_446 : i32 to index
            %get3A_452 = tpu.vector_load %arg6[%get3A_451] {strides = array<i32>} : memref<4096xf32, #tpu.memory_space<vmem>>, vector<16xf32>,
            %get3A_453 = arith.index_cast %mul3A_446 : i32 to index
            %get3A_454 = tpu.vector_load %arg7[%get3A_453] {strides = array<i32>} : memref<4096xf32, #tpu.memory_space<vmem>>, vector<16xf32>,
            %get3A_455 = arith.index_cast %mul3A_446 : i32 to index
            %get3A_456 = tpu.vector_load %arg8[%get3A_455] {strides = array<i32>} : memref<4096xf32, #tpu.memory_space<vmem>>, vector<16xf32>,
            %mul3A_457 = arith.mulf %mul3A_108, %get3A_450 : vector<16xf32>
            %mul3A_458 = arith.mulf %mul3A_121, %get3A_452 : vector<16xf32>
            %add3A_459 = arith.addf %mul3A_457, %mul3A_458 : vector<16xf32>
            %mul3A_460 = arith.mulf %mul3A_134, %get3A_454 : vector<16xf32>
            %add3A_461 = arith.addf %add3A_459, %mul3A_460 : vector<16xf32>
            %add3A_462 = arith.addf %gather3A_144, %get3A_456 : vector<16xf32>
            %sub3A_463 = arith.subf %add3A_462, %add3A_461 : vector<16xf32>
            %max3A_464 = arith.constant 0.000000e+00 : f32
            %max3A_465 = vector.broadcast %max3A_464 : f32 to vector<16xf32>
            %max3A_466 = arith.maximumf %sub3A_463, %max3A_465 : vector<16xf32>
            %broadcast_in_dim3A_467 = arith.constant true
            %broadcast_in_dim3A_468 = vector.broadcast %broadcast_in_dim3A_467 : i1 to vector<16xi1>
            %ne3A_469 = vector.broadcast %reduce_min3A_206 : i32 to vector<16xi32>
            %ne3A_470 = arith.cmpi ne, %add3A_448, %ne3A_469 : vector<16xi32>
            %and3A_471 = arith.andi %broadcast_in_dim3A_468, %ne3A_470 : vector<16xi1>
            %jit3A_472 = arith.constant 3.000000e+38 : f32
            %broadcast_in_dim3A_473 = vector.broadcast %jit3A_472 : f32 to vector<16xf32>
            %select_n3A_474 = arith.select %and3A_471, %max3A_466, %broadcast_in_dim3A_473 : vector<16xi1>, vector<16xf32>
            %lt3A_475 = arith.cmpf olt, %select_n3A_474, %scan3A_443 : vector<16xf32>
            %select_n3A_476 = arith.select %lt3A_475, %select_n3A_474, %scan3A_443 : vector<16xi1>, vector<16xf32>
            %select_n3A_477 = arith.select %lt3A_475, %add3A_448, %scan3A_444 : vector<16xi1>, vector<16xi32>
            scf.yield %select_n3A_476, %select_n3A_477 : vector<16xf32>, vector<16xi32>
          }
          %scan3A_216 = arith.constant 256 : i32
          %reduce_min3A_217 = arith.constant true
          %reduce_min3A_218 = vector.broadcast %reduce_min3A_217 : i1 to vector<16xi1>
          %reduce_min3A_219 = tpu.scan <min>, %scan3A_215#0 masked %reduce_min3A_218 : vector<16xf32>, vector<16xi1> -> vector<16xf32>
          %reduce_min3A_220 = vector.extract %reduce_min3A_219[15] : f32 from vector<16xf32>
          %eq3A_221 = vector.broadcast %reduce_min3A_220 : f32 to vector<16xf32>
          %eq3A_222 = arith.cmpf oeq, %scan3A_215#0, %eq3A_221 : vector<16xf32>
          %jit3A_223 = arith.constant 1073741824 : i32
          %broadcast_in_dim3A_224 = vector.broadcast %jit3A_223 : i32 to vector<16xi32>
          %select_n3A_225 = arith.select %eq3A_222, %scan3A_215#1, %broadcast_in_dim3A_224 : vector<16xi1>, vector<16xi32>
          %reduce_min3A_226 = arith.constant true
          %reduce_min3A_227 = vector.broadcast %reduce_min3A_226 : i1 to vector<16xi1>
          %reduce_min3A_228 = arith.constant -2147483648 : i32
          %reduce_min3A_229 = vector.broadcast %reduce_min3A_228 : i32 to vector<16xi32>
          %reduce_min3A_230 = arith.xori %select_n3A_225, %reduce_min3A_229 : vector<16xi32>
          %reduce_min3A_231 = tpu.scan <min>, %reduce_min3A_230 masked %reduce_min3A_227 : vector<16xi32>, vector<16xi1> -> vector<16xi32>
          %reduce_min3A_232 = arith.xori %reduce_min3A_231, %reduce_min3A_229 : vector<16xi32>
          %reduce_min3A_233 = vector.extract %reduce_min3A_232[15] : i32 from vector<16xi32>
          %sub3A_234 = arith.constant 5.000000e-04 : f32
          %sub3A_235 = arith.subf %sub3A_234, %reduce_min3A_220 : f32
          %max3A_236 = arith.constant 0.000000e+00 : f32
          %max3A_237 = arith.maximumf %sub3A_235, %max3A_236 : f32
          %add3A_238 = arith.constant 0.000000e+00 : f32
          %add3A_239 = arith.addf %add3A_238, %max3A_237 : f32
          %broadcast_in_dim3A_240 = arith.constant 3.000000e+38 : f32
          %broadcast_in_dim3A_241 = vector.broadcast %broadcast_in_dim3A_240 : f32 to vector<16xf32>
          %broadcast_in_dim3A_242 = arith.constant -1 : i32
          %broadcast_in_dim3A_243 = vector.broadcast %broadcast_in_dim3A_242 : i32 to vector<16xi32>
          %scan3A_244 = arith.constant 0 : i32
          %scan3A_245 = arith.constant 256 : i32
          %scan3A_246 = arith.addi %scan3A_244, %scan3A_245 : i32
          %scan3A_247 = arith.constant 1 : i32
          %scan3A_248:2 = scf.for %scan3A_442 = %scan3A_244 to %scan3A_246 step %scan3A_247 iter_args(%scan3A_443 = %broadcast_in_dim3A_241, %scan3A_444 = %broadcast_in_dim3A_243) -> (vector<16xf32>, vector<16xi32>)  : i32 {
            %mul3A_445 = arith.constant 16 : i32
            %mul3A_446 = arith.muli %scan3A_442, %mul3A_445 : i32
            %add3A_447 = vector.broadcast %mul3A_446 : i32 to vector<16xi32>
            %add3A_448 = arith.addi %add3A_447, %iota3A : vector<16xi32>
            %get3A_449 = arith.index_cast %mul3A_446 : i32 to index
            %get3A_450 = tpu.vector_load %arg5[%get3A_449] {strides = array<i32>} : memref<4096xf32, #tpu.memory_space<vmem>>, vector<16xf32>,
            %get3A_451 = arith.index_cast %mul3A_446 : i32 to index
            %get3A_452 = tpu.vector_load %arg6[%get3A_451] {strides = array<i32>} : memref<4096xf32, #tpu.memory_space<vmem>>, vector<16xf32>,
            %get3A_453 = arith.index_cast %mul3A_446 : i32 to index
            %get3A_454 = tpu.vector_load %arg7[%get3A_453] {strides = array<i32>} : memref<4096xf32, #tpu.memory_space<vmem>>, vector<16xf32>,
            %get3A_455 = arith.index_cast %mul3A_446 : i32 to index
            %get3A_456 = tpu.vector_load %arg8[%get3A_455] {strides = array<i32>} : memref<4096xf32, #tpu.memory_space<vmem>>, vector<16xf32>,
            %mul3A_457 = arith.mulf %mul3A_108, %get3A_450 : vector<16xf32>
            %mul3A_458 = arith.mulf %mul3A_121, %get3A_452 : vector<16xf32>
            %add3A_459 = arith.addf %mul3A_457, %mul3A_458 : vector<16xf32>
            %mul3A_460 = arith.mulf %mul3A_134, %get3A_454 : vector<16xf32>
            %add3A_461 = arith.addf %add3A_459, %mul3A_460 : vector<16xf32>
            %add3A_462 = arith.addf %gather3A_144, %get3A_456 : vector<16xf32>
            %sub3A_463 = arith.subf %add3A_462, %add3A_461 : vector<16xf32>
            %max3A_464 = arith.constant 0.000000e+00 : f32
            %max3A_465 = vector.broadcast %max3A_464 : f32 to vector<16xf32>
            %max3A_466 = arith.maximumf %sub3A_463, %max3A_465 : vector<16xf32>
            %broadcast_in_dim3A_467 = arith.constant true
            %broadcast_in_dim3A_468 = vector.broadcast %broadcast_in_dim3A_467 : i1 to vector<16xi1>
            %ne3A_469 = vector.broadcast %reduce_min3A_206 : i32 to vector<16xi32>
            %ne3A_470 = arith.cmpi ne, %add3A_448, %ne3A_469 : vector<16xi32>
            %and3A_471 = arith.andi %broadcast_in_dim3A_468, %ne3A_470 : vector<16xi1>
            %ne3A_472 = vector.broadcast %reduce_min3A_233 : i32 to vector<16xi32>
            %ne3A_473 = arith.cmpi ne, %add3A_448, %ne3A_472 : vector<16xi32>
            %and3A_474 = arith.andi %and3A_471, %ne3A_473 : vector<16xi1>
            %jit3A_475 = arith.constant 3.000000e+38 : f32
            %broadcast_in_dim3A_476 = vector.broadcast %jit3A_475 : f32 to vector<16xf32>
            %select_n3A_477 = arith.select %and3A_474, %max3A_466, %broadcast_in_dim3A_476 : vector<16xi1>, vector<16xf32>
            %lt3A_478 = arith.cmpf olt, %select_n3A_477, %scan3A_443 : vector<16xf32>
            %select_n3A_479 = arith.select %lt3A_478, %select_n3A_477, %scan3A_443 : vector<16xi1>, vector<16xf32>
            %select_n3A_480 = arith.select %lt3A_478, %add3A_448, %scan3A_444 : vector<16xi1>, vector<16xi32>
            scf.yield %select_n3A_479, %select_n3A_480 : vector<16xf32>, vector<16xi32>
          }
          %scan3A_249 = arith.constant 256 : i32
          %reduce_min3A_250 = arith.constant true
          %reduce_min3A_251 = vector.broadcast %reduce_min3A_250 : i1 to vector<16xi1>
          %reduce_min3A_252 = tpu.scan <min>, %scan3A_248#0 masked %reduce_min3A_251 : vector<16xf32>, vector<16xi1> -> vector<16xf32>
          %reduce_min3A_253 = vector.extract %reduce_min3A_252[15] : f32 from vector<16xf32>
          %eq3A_254 = vector.broadcast %reduce_min3A_253 : f32 to vector<16xf32>
          %eq3A_255 = arith.cmpf oeq, %scan3A_248#0, %eq3A_254 : vector<16xf32>
          %jit3A_256 = arith.constant 1073741824 : i32
          %broadcast_in_dim3A_257 = vector.broadcast %jit3A_256 : i32 to vector<16xi32>
          %select_n3A_258 = arith.select %eq3A_255, %scan3A_248#1, %broadcast_in_dim3A_257 : vector<16xi1>, vector<16xi32>
          %reduce_min3A_259 = arith.constant true
          %reduce_min3A_260 = vector.broadcast %reduce_min3A_259 : i1 to vector<16xi1>
          %reduce_min3A_261 = arith.constant -2147483648 : i32
          %reduce_min3A_262 = vector.broadcast %reduce_min3A_261 : i32 to vector<16xi32>
          %reduce_min3A_263 = arith.xori %select_n3A_258, %reduce_min3A_262 : vector<16xi32>
          %reduce_min3A_264 = tpu.scan <min>, %reduce_min3A_263 masked %reduce_min3A_260 : vector<16xi32>, vector<16xi1> -> vector<16xi32>
          %reduce_min3A_265 = arith.xori %reduce_min3A_264, %reduce_min3A_262 : vector<16xi32>
          %reduce_min3A_266 = vector.extract %reduce_min3A_265[15] : i32 from vector<16xi32>
          %sub3A_267 = arith.constant 5.000000e-04 : f32
          %sub3A_268 = arith.subf %sub3A_267, %reduce_min3A_253 : f32
          %max3A_269 = arith.constant 0.000000e+00 : f32
          %max3A_270 = arith.maximumf %sub3A_268, %max3A_269 : f32
          %add3A_271 = arith.addf %add3A_239, %max3A_270 : f32
          %broadcast_in_dim3A_272 = arith.constant 3.000000e+38 : f32
          %broadcast_in_dim3A_273 = vector.broadcast %broadcast_in_dim3A_272 : f32 to vector<16xf32>
          %broadcast_in_dim3A_274 = arith.constant -1 : i32
          %broadcast_in_dim3A_275 = vector.broadcast %broadcast_in_dim3A_274 : i32 to vector<16xi32>
          %scan3A_276 = arith.constant 0 : i32
          %scan3A_277 = arith.constant 256 : i32
          %scan3A_278 = arith.addi %scan3A_276, %scan3A_277 : i32
          %scan3A_279 = arith.constant 1 : i32
          %scan3A_280:2 = scf.for %scan3A_442 = %scan3A_276 to %scan3A_278 step %scan3A_279 iter_args(%scan3A_443 = %broadcast_in_dim3A_273, %scan3A_444 = %broadcast_in_dim3A_275) -> (vector<16xf32>, vector<16xi32>)  : i32 {
            %mul3A_445 = arith.constant 16 : i32
            %mul3A_446 = arith.muli %scan3A_442, %mul3A_445 : i32
            %add3A_447 = vector.broadcast %mul3A_446 : i32 to vector<16xi32>
            %add3A_448 = arith.addi %add3A_447, %iota3A : vector<16xi32>
            %get3A_449 = arith.index_cast %mul3A_446 : i32 to index
            %get3A_450 = tpu.vector_load %arg5[%get3A_449] {strides = array<i32>} : memref<4096xf32, #tpu.memory_space<vmem>>, vector<16xf32>,
            %get3A_451 = arith.index_cast %mul3A_446 : i32 to index
            %get3A_452 = tpu.vector_load %arg6[%get3A_451] {strides = array<i32>} : memref<4096xf32, #tpu.memory_space<vmem>>, vector<16xf32>,
            %get3A_453 = arith.index_cast %mul3A_446 : i32 to index
            %get3A_454 = tpu.vector_load %arg7[%get3A_453] {strides = array<i32>} : memref<4096xf32, #tpu.memory_space<vmem>>, vector<16xf32>,
            %get3A_455 = arith.index_cast %mul3A_446 : i32 to index
            %get3A_456 = tpu.vector_load %arg8[%get3A_455] {strides = array<i32>} : memref<4096xf32, #tpu.memory_space<vmem>>, vector<16xf32>,
            %mul3A_457 = arith.mulf %mul3A_108, %get3A_450 : vector<16xf32>
            %mul3A_458 = arith.mulf %mul3A_121, %get3A_452 : vector<16xf32>
            %add3A_459 = arith.addf %mul3A_457, %mul3A_458 : vector<16xf32>
            %mul3A_460 = arith.mulf %mul3A_134, %get3A_454 : vector<16xf32>
            %add3A_461 = arith.addf %add3A_459, %mul3A_460 : vector<16xf32>
            %add3A_462 = arith.addf %gather3A_144, %get3A_456 : vector<16xf32>
            %sub3A_463 = arith.subf %add3A_462, %add3A_461 : vector<16xf32>
            %max3A_464 = arith.constant 0.000000e+00 : f32
            %max3A_465 = vector.broadcast %max3A_464 : f32 to vector<16xf32>
            %max3A_466 = arith.maximumf %sub3A_463, %max3A_465 : vector<16xf32>
            %broadcast_in_dim3A_467 = arith.constant true
            %broadcast_in_dim3A_468 = vector.broadcast %broadcast_in_dim3A_467 : i1 to vector<16xi1>
            %ne3A_469 = vector.broadcast %reduce_min3A_206 : i32 to vector<16xi32>
            %ne3A_470 = arith.cmpi ne, %add3A_448, %ne3A_469 : vector<16xi32>
            %and3A_471 = arith.andi %broadcast_in_dim3A_468, %ne3A_470 : vector<16xi1>
            %ne3A_472 = vector.broadcast %reduce_min3A_233 : i32 to vector<16xi32>
            %ne3A_473 = arith.cmpi ne, %add3A_448, %ne3A_472 : vector<16xi32>
            %and3A_474 = arith.andi %and3A_471, %ne3A_473 : vector<16xi1>
            %ne3A_475 = vector.broadcast %reduce_min3A_266 : i32 to vector<16xi32>
            %ne3A_476 = arith.cmpi ne, %add3A_448, %ne3A_475 : vector<16xi32>
            %and3A_477 = arith.andi %and3A_474, %ne3A_476 : vector<16xi1>
            %jit3A_478 = arith.constant 3.000000e+38 : f32
            %broadcast_in_dim3A_479 = vector.broadcast %jit3A_478 : f32 to vector<16xf32>
            %select_n3A_480 = arith.select %and3A_477, %max3A_466, %broadcast_in_dim3A_479 : vector<16xi1>, vector<16xf32>
            %lt3A_481 = arith.cmpf olt, %select_n3A_480, %scan3A_443 : vector<16xf32>
            %select_n3A_482 = arith.select %lt3A_481, %select_n3A_480, %scan3A_443 : vector<16xi1>, vector<16xf32>
            %select_n3A_483 = arith.select %lt3A_481, %add3A_448, %scan3A_444 : vector<16xi1>, vector<16xi32>
            scf.yield %select_n3A_482, %select_n3A_483 : vector<16xf32>, vector<16xi32>
          }
          %scan3A_281 = arith.constant 256 : i32
          %reduce_min3A_282 = arith.constant true
          %reduce_min3A_283 = vector.broadcast %reduce_min3A_282 : i1 to vector<16xi1>
          %reduce_min3A_284 = tpu.scan <min>, %scan3A_280#0 masked %reduce_min3A_283 : vector<16xf32>, vector<16xi1> -> vector<16xf32>
          %reduce_min3A_285 = vector.extract %reduce_min3A_284[15] : f32 from vector<16xf32>
          %eq3A_286 = vector.broadcast %reduce_min3A_285 : f32 to vector<16xf32>
          %eq3A_287 = arith.cmpf oeq, %scan3A_280#0, %eq3A_286 : vector<16xf32>
          %jit3A_288 = arith.constant 1073741824 : i32
          %broadcast_in_dim3A_289 = vector.broadcast %jit3A_288 : i32 to vector<16xi32>
          %select_n3A_290 = arith.select %eq3A_287, %scan3A_280#1, %broadcast_in_dim3A_289 : vector<16xi1>, vector<16xi32>
          %reduce_min3A_291 = arith.constant true
          %reduce_min3A_292 = vector.broadcast %reduce_min3A_291 : i1 to vector<16xi1>
          %reduce_min3A_293 = arith.constant -2147483648 : i32
          %reduce_min3A_294 = vector.broadcast %reduce_min3A_293 : i32 to vector<16xi32>
          %reduce_min3A_295 = arith.xori %select_n3A_290, %reduce_min3A_294 : vector<16xi32>
          %reduce_min3A_296 = tpu.scan <min>, %reduce_min3A_295 masked %reduce_min3A_292 : vector<16xi32>, vector<16xi1> -> vector<16xi32>
          %reduce_min3A_297 = arith.xori %reduce_min3A_296, %reduce_min3A_294 : vector<16xi32>
          %reduce_min3A_298 = vector.extract %reduce_min3A_297[15] : i32 from vector<16xi32>
          %sub3A_299 = arith.constant 5.000000e-04 : f32
          %sub3A_300 = arith.subf %sub3A_299, %reduce_min3A_285 : f32
          %max3A_301 = arith.constant 0.000000e+00 : f32
          %max3A_302 = arith.maximumf %sub3A_300, %max3A_301 : f32
          %add3A_303 = arith.addf %add3A_271, %max3A_302 : f32
          %broadcast_in_dim3A_304 = arith.constant 3.000000e+38 : f32
          %broadcast_in_dim3A_305 = vector.broadcast %broadcast_in_dim3A_304 : f32 to vector<16xf32>
          %broadcast_in_dim3A_306 = arith.constant -1 : i32
          %broadcast_in_dim3A_307 = vector.broadcast %broadcast_in_dim3A_306 : i32 to vector<16xi32>
          %scan3A_308 = arith.constant 0 : i32
          %scan3A_309 = arith.constant 256 : i32
          %scan3A_310 = arith.addi %scan3A_308, %scan3A_309 : i32
          %scan3A_311 = arith.constant 1 : i32
          %scan3A_312:2 = scf.for %scan3A_442 = %scan3A_308 to %scan3A_310 step %scan3A_311 iter_args(%scan3A_443 = %broadcast_in_dim3A_305, %scan3A_444 = %broadcast_in_dim3A_307) -> (vector<16xf32>, vector<16xi32>)  : i32 {
            %mul3A_445 = arith.constant 16 : i32
            %mul3A_446 = arith.muli %scan3A_442, %mul3A_445 : i32
            %add3A_447 = vector.broadcast %mul3A_446 : i32 to vector<16xi32>
            %add3A_448 = arith.addi %add3A_447, %iota3A : vector<16xi32>
            %get3A_449 = arith.index_cast %mul3A_446 : i32 to index
            %get3A_450 = tpu.vector_load %arg5[%get3A_449] {strides = array<i32>} : memref<4096xf32, #tpu.memory_space<vmem>>, vector<16xf32>,
            %get3A_451 = arith.index_cast %mul3A_446 : i32 to index
            %get3A_452 = tpu.vector_load %arg6[%get3A_451] {strides = array<i32>} : memref<4096xf32, #tpu.memory_space<vmem>>, vector<16xf32>,
            %get3A_453 = arith.index_cast %mul3A_446 : i32 to index
            %get3A_454 = tpu.vector_load %arg7[%get3A_453] {strides = array<i32>} : memref<4096xf32, #tpu.memory_space<vmem>>, vector<16xf32>,
            %get3A_455 = arith.index_cast %mul3A_446 : i32 to index
            %get3A_456 = tpu.vector_load %arg8[%get3A_455] {strides = array<i32>} : memref<4096xf32, #tpu.memory_space<vmem>>, vector<16xf32>,
            %mul3A_457 = arith.mulf %mul3A_108, %get3A_450 : vector<16xf32>
            %mul3A_458 = arith.mulf %mul3A_121, %get3A_452 : vector<16xf32>
            %add3A_459 = arith.addf %mul3A_457, %mul3A_458 : vector<16xf32>
            %mul3A_460 = arith.mulf %mul3A_134, %get3A_454 : vector<16xf32>
            %add3A_461 = arith.addf %add3A_459, %mul3A_460 : vector<16xf32>
            %add3A_462 = arith.addf %gather3A_144, %get3A_456 : vector<16xf32>
            %sub3A_463 = arith.subf %add3A_462, %add3A_461 : vector<16xf32>
            %max3A_464 = arith.constant 0.000000e+00 : f32
            %max3A_465 = vector.broadcast %max3A_464 : f32 to vector<16xf32>
            %max3A_466 = arith.maximumf %sub3A_463, %max3A_465 : vector<16xf32>
            %broadcast_in_dim3A_467 = arith.constant true
            %broadcast_in_dim3A_468 = vector.broadcast %broadcast_in_dim3A_467 : i1 to vector<16xi1>
            %ne3A_469 = vector.broadcast %reduce_min3A_206 : i32 to vector<16xi32>
            %ne3A_470 = arith.cmpi ne, %add3A_448, %ne3A_469 : vector<16xi32>
            %and3A_471 = arith.andi %broadcast_in_dim3A_468, %ne3A_470 : vector<16xi1>
            %ne3A_472 = vector.broadcast %reduce_min3A_233 : i32 to vector<16xi32>
            %ne3A_473 = arith.cmpi ne, %add3A_448, %ne3A_472 : vector<16xi32>
            %and3A_474 = arith.andi %and3A_471, %ne3A_473 : vector<16xi1>
            %ne3A_475 = vector.broadcast %reduce_min3A_266 : i32 to vector<16xi32>
            %ne3A_476 = arith.cmpi ne, %add3A_448, %ne3A_475 : vector<16xi32>
            %and3A_477 = arith.andi %and3A_474, %ne3A_476 : vector<16xi1>
            %ne3A_478 = vector.broadcast %reduce_min3A_298 : i32 to vector<16xi32>
            %ne3A_479 = arith.cmpi ne, %add3A_448, %ne3A_478 : vector<16xi32>
            %and3A_480 = arith.andi %and3A_477, %ne3A_479 : vector<16xi1>
            %jit3A_481 = arith.constant 3.000000e+38 : f32
            %broadcast_in_dim3A_482 = vector.broadcast %jit3A_481 : f32 to vector<16xf32>
            %select_n3A_483 = arith.select %and3A_480, %max3A_466, %broadcast_in_dim3A_482 : vector<16xi1>, vector<16xf32>
            %lt3A_484 = arith.cmpf olt, %select_n3A_483, %scan3A_443 : vector<16xf32>
            %select_n3A_485 = arith.select %lt3A_484, %select_n3A_483, %scan3A_443 : vector<16xi1>, vector<16xf32>
            %select_n3A_486 = arith.select %lt3A_484, %add3A_448, %scan3A_444 : vector<16xi1>, vector<16xi32>
            scf.yield %select_n3A_485, %select_n3A_486 : vector<16xf32>, vector<16xi32>
          }
          %scan3A_313 = arith.constant 256 : i32
          %reduce_min3A_314 = arith.constant true
          %reduce_min3A_315 = vector.broadcast %reduce_min3A_314 : i1 to vector<16xi1>
          %reduce_min3A_316 = tpu.scan <min>, %scan3A_312#0 masked %reduce_min3A_315 : vector<16xf32>, vector<16xi1> -> vector<16xf32>
          %reduce_min3A_317 = vector.extract %reduce_min3A_316[15] : f32 from vector<16xf32>
          %eq3A_318 = vector.broadcast %reduce_min3A_317 : f32 to vector<16xf32>
          %eq3A_319 = arith.cmpf oeq, %scan3A_312#0, %eq3A_318 : vector<16xf32>
          %jit3A_320 = arith.constant 1073741824 : i32
          %broadcast_in_dim3A_321 = vector.broadcast %jit3A_320 : i32 to vector<16xi32>
          %select_n3A_322 = arith.select %eq3A_319, %scan3A_312#1, %broadcast_in_dim3A_321 : vector<16xi1>, vector<16xi32>
          %reduce_min3A_323 = arith.constant true
          %reduce_min3A_324 = vector.broadcast %reduce_min3A_323 : i1 to vector<16xi1>
          %reduce_min3A_325 = arith.constant -2147483648 : i32
          %reduce_min3A_326 = vector.broadcast %reduce_min3A_325 : i32 to vector<16xi32>
          %reduce_min3A_327 = arith.xori %select_n3A_322, %reduce_min3A_326 : vector<16xi32>
          %reduce_min3A_328 = tpu.scan <min>, %reduce_min3A_327 masked %reduce_min3A_324 : vector<16xi32>, vector<16xi1> -> vector<16xi32>
          %reduce_min3A_329 = arith.xori %reduce_min3A_328, %reduce_min3A_326 : vector<16xi32>
          %reduce_min3A_330 = vector.extract %reduce_min3A_329[15] : i32 from vector<16xi32>
          %sub3A_331 = arith.constant 5.000000e-04 : f32
          %sub3A_332 = arith.subf %sub3A_331, %reduce_min3A_317 : f32
          %max3A_333 = arith.constant 0.000000e+00 : f32
          %max3A_334 = arith.maximumf %sub3A_332, %max3A_333 : f32
          %add3A_335 = arith.addf %add3A_303, %max3A_334 : f32
          %broadcast_in_dim3A_336 = arith.constant 3.000000e+38 : f32
          %broadcast_in_dim3A_337 = vector.broadcast %broadcast_in_dim3A_336 : f32 to vector<16xf32>
          %broadcast_in_dim3A_338 = arith.constant -1 : i32
          %broadcast_in_dim3A_339 = vector.broadcast %broadcast_in_dim3A_338 : i32 to vector<16xi32>
          %scan3A_340 = arith.constant 0 : i32
          %scan3A_341 = arith.constant 256 : i32
          %scan3A_342 = arith.addi %scan3A_340, %scan3A_341 : i32
          %scan3A_343 = arith.constant 1 : i32
          %scan3A_344:2 = scf.for %scan3A_442 = %scan3A_340 to %scan3A_342 step %scan3A_343 iter_args(%scan3A_443 = %broadcast_in_dim3A_337, %scan3A_444 = %broadcast_in_dim3A_339) -> (vector<16xf32>, vector<16xi32>)  : i32 {
            %mul3A_445 = arith.constant 16 : i32
            %mul3A_446 = arith.muli %scan3A_442, %mul3A_445 : i32
            %add3A_447 = vector.broadcast %mul3A_446 : i32 to vector<16xi32>
            %add3A_448 = arith.addi %add3A_447, %iota3A : vector<16xi32>
            %get3A_449 = arith.index_cast %mul3A_446 : i32 to index
            %get3A_450 = tpu.vector_load %arg5[%get3A_449] {strides = array<i32>} : memref<4096xf32, #tpu.memory_space<vmem>>, vector<16xf32>,
            %get3A_451 = arith.index_cast %mul3A_446 : i32 to index
            %get3A_452 = tpu.vector_load %arg6[%get3A_451] {strides = array<i32>} : memref<4096xf32, #tpu.memory_space<vmem>>, vector<16xf32>,
            %get3A_453 = arith.index_cast %mul3A_446 : i32 to index
            %get3A_454 = tpu.vector_load %arg7[%get3A_453] {strides = array<i32>} : memref<4096xf32, #tpu.memory_space<vmem>>, vector<16xf32>,
            %get3A_455 = arith.index_cast %mul3A_446 : i32 to index
            %get3A_456 = tpu.vector_load %arg8[%get3A_455] {strides = array<i32>} : memref<4096xf32, #tpu.memory_space<vmem>>, vector<16xf32>,
            %mul3A_457 = arith.mulf %mul3A_108, %get3A_450 : vector<16xf32>
            %mul3A_458 = arith.mulf %mul3A_121, %get3A_452 : vector<16xf32>
            %add3A_459 = arith.addf %mul3A_457, %mul3A_458 : vector<16xf32>
            %mul3A_460 = arith.mulf %mul3A_134, %get3A_454 : vector<16xf32>
            %add3A_461 = arith.addf %add3A_459, %mul3A_460 : vector<16xf32>
            %add3A_462 = arith.addf %gather3A_144, %get3A_456 : vector<16xf32>
            %sub3A_463 = arith.subf %add3A_462, %add3A_461 : vector<16xf32>
            %max3A_464 = arith.constant 0.000000e+00 : f32
            %max3A_465 = vector.broadcast %max3A_464 : f32 to vector<16xf32>
            %max3A_466 = arith.maximumf %sub3A_463, %max3A_465 : vector<16xf32>
            %broadcast_in_dim3A_467 = arith.constant true
            %broadcast_in_dim3A_468 = vector.broadcast %broadcast_in_dim3A_467 : i1 to vector<16xi1>
            %ne3A_469 = vector.broadcast %reduce_min3A_206 : i32 to vector<16xi32>
            %ne3A_470 = arith.cmpi ne, %add3A_448, %ne3A_469 : vector<16xi32>
            %and3A_471 = arith.andi %broadcast_in_dim3A_468, %ne3A_470 : vector<16xi1>
            %ne3A_472 = vector.broadcast %reduce_min3A_233 : i32 to vector<16xi32>
            %ne3A_473 = arith.cmpi ne, %add3A_448, %ne3A_472 : vector<16xi32>
            %and3A_474 = arith.andi %and3A_471, %ne3A_473 : vector<16xi1>
            %ne3A_475 = vector.broadcast %reduce_min3A_266 : i32 to vector<16xi32>
            %ne3A_476 = arith.cmpi ne, %add3A_448, %ne3A_475 : vector<16xi32>
            %and3A_477 = arith.andi %and3A_474, %ne3A_476 : vector<16xi1>
            %ne3A_478 = vector.broadcast %reduce_min3A_298 : i32 to vector<16xi32>
            %ne3A_479 = arith.cmpi ne, %add3A_448, %ne3A_478 : vector<16xi32>
            %and3A_480 = arith.andi %and3A_477, %ne3A_479 : vector<16xi1>
            %ne3A_481 = vector.broadcast %reduce_min3A_330 : i32 to vector<16xi32>
            %ne3A_482 = arith.cmpi ne, %add3A_448, %ne3A_481 : vector<16xi32>
            %and3A_483 = arith.andi %and3A_480, %ne3A_482 : vector<16xi1>
            %jit3A_484 = arith.constant 3.000000e+38 : f32
            %broadcast_in_dim3A_485 = vector.broadcast %jit3A_484 : f32 to vector<16xf32>
            %select_n3A_486 = arith.select %and3A_483, %max3A_466, %broadcast_in_dim3A_485 : vector<16xi1>, vector<16xf32>
            %lt3A_487 = arith.cmpf olt, %select_n3A_486, %scan3A_443 : vector<16xf32>
            %select_n3A_488 = arith.select %lt3A_487, %select_n3A_486, %scan3A_443 : vector<16xi1>, vector<16xf32>
            %select_n3A_489 = arith.select %lt3A_487, %add3A_448, %scan3A_444 : vector<16xi1>, vector<16xi32>
            scf.yield %select_n3A_488, %select_n3A_489 : vector<16xf32>, vector<16xi32>
          }
          %scan3A_345 = arith.constant 256 : i32
          %reduce_min3A_346 = arith.constant true
          %reduce_min3A_347 = vector.broadcast %reduce_min3A_346 : i1 to vector<16xi1>
          %reduce_min3A_348 = tpu.scan <min>, %scan3A_344#0 masked %reduce_min3A_347 : vector<16xf32>, vector<16xi1> -> vector<16xf32>
          %reduce_min3A_349 = vector.extract %reduce_min3A_348[15] : f32 from vector<16xf32>
          %eq3A_350 = vector.broadcast %reduce_min3A_349 : f32 to vector<16xf32>
          %eq3A_351 = arith.cmpf oeq, %scan3A_344#0, %eq3A_350 : vector<16xf32>
          %jit3A_352 = arith.constant 1073741824 : i32
          %broadcast_in_dim3A_353 = vector.broadcast %jit3A_352 : i32 to vector<16xi32>
          %select_n3A_354 = arith.select %eq3A_351, %scan3A_344#1, %broadcast_in_dim3A_353 : vector<16xi1>, vector<16xi32>
          %reduce_min3A_355 = arith.constant true
          %reduce_min3A_356 = vector.broadcast %reduce_min3A_355 : i1 to vector<16xi1>
          %reduce_min3A_357 = arith.constant -2147483648 : i32
          %reduce_min3A_358 = vector.broadcast %reduce_min3A_357 : i32 to vector<16xi32>
          %reduce_min3A_359 = arith.xori %select_n3A_354, %reduce_min3A_358 : vector<16xi32>
          %reduce_min3A_360 = tpu.scan <min>, %reduce_min3A_359 masked %reduce_min3A_356 : vector<16xi32>, vector<16xi1> -> vector<16xi32>
          %reduce_min3A_361 = arith.xori %reduce_min3A_360, %reduce_min3A_358 : vector<16xi32>
          %reduce_min3A_362 = vector.extract %reduce_min3A_361[15] : i32 from vector<16xi32>
          %sub3A_363 = arith.constant 5.000000e-04 : f32
          %sub3A_364 = arith.subf %sub3A_363, %reduce_min3A_349 : f32
          %max3A_365 = arith.constant 0.000000e+00 : f32
          %max3A_366 = arith.maximumf %sub3A_364, %max3A_365 : f32
          %add3A_367 = arith.addf %add3A_335, %max3A_366 : f32
          %broadcast_in_dim3A_368 = arith.constant 3.000000e+38 : f32
          %broadcast_in_dim3A_369 = vector.broadcast %broadcast_in_dim3A_368 : f32 to vector<16xf32>
          %broadcast_in_dim3A_370 = arith.constant -1 : i32
          %broadcast_in_dim3A_371 = vector.broadcast %broadcast_in_dim3A_370 : i32 to vector<16xi32>
          %scan3A_372 = arith.constant 0 : i32
          %scan3A_373 = arith.constant 256 : i32
          %scan3A_374 = arith.addi %scan3A_372, %scan3A_373 : i32
          %scan3A_375 = arith.constant 1 : i32
          %scan3A_376:2 = scf.for %scan3A_442 = %scan3A_372 to %scan3A_374 step %scan3A_375 iter_args(%scan3A_443 = %broadcast_in_dim3A_369, %scan3A_444 = %broadcast_in_dim3A_371) -> (vector<16xf32>, vector<16xi32>)  : i32 {
            %mul3A_445 = arith.constant 16 : i32
            %mul3A_446 = arith.muli %scan3A_442, %mul3A_445 : i32
            %add3A_447 = vector.broadcast %mul3A_446 : i32 to vector<16xi32>
            %add3A_448 = arith.addi %add3A_447, %iota3A : vector<16xi32>
            %get3A_449 = arith.index_cast %mul3A_446 : i32 to index
            %get3A_450 = tpu.vector_load %arg5[%get3A_449] {strides = array<i32>} : memref<4096xf32, #tpu.memory_space<vmem>>, vector<16xf32>,
            %get3A_451 = arith.index_cast %mul3A_446 : i32 to index
            %get3A_452 = tpu.vector_load %arg6[%get3A_451] {strides = array<i32>} : memref<4096xf32, #tpu.memory_space<vmem>>, vector<16xf32>,
            %get3A_453 = arith.index_cast %mul3A_446 : i32 to index
            %get3A_454 = tpu.vector_load %arg7[%get3A_453] {strides = array<i32>} : memref<4096xf32, #tpu.memory_space<vmem>>, vector<16xf32>,
            %get3A_455 = arith.index_cast %mul3A_446 : i32 to index
            %get3A_456 = tpu.vector_load %arg8[%get3A_455] {strides = array<i32>} : memref<4096xf32, #tpu.memory_space<vmem>>, vector<16xf32>,
            %mul3A_457 = arith.mulf %mul3A_108, %get3A_450 : vector<16xf32>
            %mul3A_458 = arith.mulf %mul3A_121, %get3A_452 : vector<16xf32>
            %add3A_459 = arith.addf %mul3A_457, %mul3A_458 : vector<16xf32>
            %mul3A_460 = arith.mulf %mul3A_134, %get3A_454 : vector<16xf32>
            %add3A_461 = arith.addf %add3A_459, %mul3A_460 : vector<16xf32>
            %add3A_462 = arith.addf %gather3A_144, %get3A_456 : vector<16xf32>
            %sub3A_463 = arith.subf %add3A_462, %add3A_461 : vector<16xf32>
            %max3A_464 = arith.constant 0.000000e+00 : f32
            %max3A_465 = vector.broadcast %max3A_464 : f32 to vector<16xf32>
            %max3A_466 = arith.maximumf %sub3A_463, %max3A_465 : vector<16xf32>
            %broadcast_in_dim3A_467 = arith.constant true
            %broadcast_in_dim3A_468 = vector.broadcast %broadcast_in_dim3A_467 : i1 to vector<16xi1>
            %ne3A_469 = vector.broadcast %reduce_min3A_206 : i32 to vector<16xi32>
            %ne3A_470 = arith.cmpi ne, %add3A_448, %ne3A_469 : vector<16xi32>
            %and3A_471 = arith.andi %broadcast_in_dim3A_468, %ne3A_470 : vector<16xi1>
            %ne3A_472 = vector.broadcast %reduce_min3A_233 : i32 to vector<16xi32>
            %ne3A_473 = arith.cmpi ne, %add3A_448, %ne3A_472 : vector<16xi32>
            %and3A_474 = arith.andi %and3A_471, %ne3A_473 : vector<16xi1>
            %ne3A_475 = vector.broadcast %reduce_min3A_266 : i32 to vector<16xi32>
            %ne3A_476 = arith.cmpi ne, %add3A_448, %ne3A_475 : vector<16xi32>
            %and3A_477 = arith.andi %and3A_474, %ne3A_476 : vector<16xi1>
            %ne3A_478 = vector.broadcast %reduce_min3A_298 : i32 to vector<16xi32>
            %ne3A_479 = arith.cmpi ne, %add3A_448, %ne3A_478 : vector<16xi32>
            %and3A_480 = arith.andi %and3A_477, %ne3A_479 : vector<16xi1>
            %ne3A_481 = vector.broadcast %reduce_min3A_330 : i32 to vector<16xi32>
            %ne3A_482 = arith.cmpi ne, %add3A_448, %ne3A_481 : vector<16xi32>
            %and3A_483 = arith.andi %and3A_480, %ne3A_482 : vector<16xi1>
            %ne3A_484 = vector.broadcast %reduce_min3A_362 : i32 to vector<16xi32>
            %ne3A_485 = arith.cmpi ne, %add3A_448, %ne3A_484 : vector<16xi32>
            %and3A_486 = arith.andi %and3A_483, %ne3A_485 : vector<16xi1>
            %jit3A_487 = arith.constant 3.000000e+38 : f32
            %broadcast_in_dim3A_488 = vector.broadcast %jit3A_487 : f32 to vector<16xf32>
            %select_n3A_489 = arith.select %and3A_486, %max3A_466, %broadcast_in_dim3A_488 : vector<16xi1>, vector<16xf32>
            %lt3A_490 = arith.cmpf olt, %select_n3A_489, %scan3A_443 : vector<16xf32>
            %select_n3A_491 = arith.select %lt3A_490, %select_n3A_489, %scan3A_443 : vector<16xi1>, vector<16xf32>
            %select_n3A_492 = arith.select %lt3A_490, %add3A_448, %scan3A_444 : vector<16xi1>, vector<16xi32>
            scf.yield %select_n3A_491, %select_n3A_492 : vector<16xf32>, vector<16xi32>
          }
          %scan3A_377 = arith.constant 256 : i32
          %reduce_min3A_378 = arith.constant true
          %reduce_min3A_379 = vector.broadcast %reduce_min3A_378 : i1 to vector<16xi1>
          %reduce_min3A_380 = tpu.scan <min>, %scan3A_376#0 masked %reduce_min3A_379 : vector<16xf32>, vector<16xi1> -> vector<16xf32>
          %reduce_min3A_381 = vector.extract %reduce_min3A_380[15] : f32 from vector<16xf32>
          %eq3A_382 = vector.broadcast %reduce_min3A_381 : f32 to vector<16xf32>
          %eq3A_383 = arith.cmpf oeq, %scan3A_376#0, %eq3A_382 : vector<16xf32>
          %jit3A_384 = arith.constant 1073741824 : i32
          %broadcast_in_dim3A_385 = vector.broadcast %jit3A_384 : i32 to vector<16xi32>
          %select_n3A_386 = arith.select %eq3A_383, %scan3A_376#1, %broadcast_in_dim3A_385 : vector<16xi1>, vector<16xi32>
          %reduce_min3A_387 = arith.constant true
          %reduce_min3A_388 = vector.broadcast %reduce_min3A_387 : i1 to vector<16xi1>
          %reduce_min3A_389 = arith.constant -2147483648 : i32
          %reduce_min3A_390 = vector.broadcast %reduce_min3A_389 : i32 to vector<16xi32>
          %reduce_min3A_391 = arith.xori %select_n3A_386, %reduce_min3A_390 : vector<16xi32>
          %reduce_min3A_392 = tpu.scan <min>, %reduce_min3A_391 masked %reduce_min3A_388 : vector<16xi32>, vector<16xi1> -> vector<16xi32>
          %reduce_min3A_393 = arith.xori %reduce_min3A_392, %reduce_min3A_390 : vector<16xi32>
          %reduce_min3A_394 = vector.extract %reduce_min3A_393[15] : i32 from vector<16xi32>
          %sub3A_395 = arith.constant 5.000000e-04 : f32
          %sub3A_396 = arith.subf %sub3A_395, %reduce_min3A_381 : f32
          %max3A_397 = arith.constant 0.000000e+00 : f32
          %max3A_398 = arith.maximumf %sub3A_396, %max3A_397 : f32
          %add3A_399 = arith.addf %add3A_367, %max3A_398 : f32
          %broadcast_in_dim3A_400 = arith.constant 3.000000e+38 : f32
          %broadcast_in_dim3A_401 = vector.broadcast %broadcast_in_dim3A_400 : f32 to vector<16xf32>
          %broadcast_in_dim3A_402 = arith.constant -1 : i32
          %broadcast_in_dim3A_403 = vector.broadcast %broadcast_in_dim3A_402 : i32 to vector<16xi32>
          %scan3A_404 = arith.constant 0 : i32
          %scan3A_405 = arith.constant 256 : i32
          %scan3A_406 = arith.addi %scan3A_404, %scan3A_405 : i32
          %scan3A_407 = arith.constant 1 : i32
          %scan3A_408:2 = scf.for %scan3A_442 = %scan3A_404 to %scan3A_406 step %scan3A_407 iter_args(%scan3A_443 = %broadcast_in_dim3A_401, %scan3A_444 = %broadcast_in_dim3A_403) -> (vector<16xf32>, vector<16xi32>)  : i32 {
            %mul3A_445 = arith.constant 16 : i32
            %mul3A_446 = arith.muli %scan3A_442, %mul3A_445 : i32
            %add3A_447 = vector.broadcast %mul3A_446 : i32 to vector<16xi32>
            %add3A_448 = arith.addi %add3A_447, %iota3A : vector<16xi32>
            %get3A_449 = arith.index_cast %mul3A_446 : i32 to index
            %get3A_450 = tpu.vector_load %arg5[%get3A_449] {strides = array<i32>} : memref<4096xf32, #tpu.memory_space<vmem>>, vector<16xf32>,
            %get3A_451 = arith.index_cast %mul3A_446 : i32 to index
            %get3A_452 = tpu.vector_load %arg6[%get3A_451] {strides = array<i32>} : memref<4096xf32, #tpu.memory_space<vmem>>, vector<16xf32>,
            %get3A_453 = arith.index_cast %mul3A_446 : i32 to index
            %get3A_454 = tpu.vector_load %arg7[%get3A_453] {strides = array<i32>} : memref<4096xf32, #tpu.memory_space<vmem>>, vector<16xf32>,
            %get3A_455 = arith.index_cast %mul3A_446 : i32 to index
            %get3A_456 = tpu.vector_load %arg8[%get3A_455] {strides = array<i32>} : memref<4096xf32, #tpu.memory_space<vmem>>, vector<16xf32>,
            %mul3A_457 = arith.mulf %mul3A_108, %get3A_450 : vector<16xf32>
            %mul3A_458 = arith.mulf %mul3A_121, %get3A_452 : vector<16xf32>
            %add3A_459 = arith.addf %mul3A_457, %mul3A_458 : vector<16xf32>
            %mul3A_460 = arith.mulf %mul3A_134, %get3A_454 : vector<16xf32>
            %add3A_461 = arith.addf %add3A_459, %mul3A_460 : vector<16xf32>
            %add3A_462 = arith.addf %gather3A_144, %get3A_456 : vector<16xf32>
            %sub3A_463 = arith.subf %add3A_462, %add3A_461 : vector<16xf32>
            %max3A_464 = arith.constant 0.000000e+00 : f32
            %max3A_465 = vector.broadcast %max3A_464 : f32 to vector<16xf32>
            %max3A_466 = arith.maximumf %sub3A_463, %max3A_465 : vector<16xf32>
            %broadcast_in_dim3A_467 = arith.constant true
            %broadcast_in_dim3A_468 = vector.broadcast %broadcast_in_dim3A_467 : i1 to vector<16xi1>
            %ne3A_469 = vector.broadcast %reduce_min3A_206 : i32 to vector<16xi32>
            %ne3A_470 = arith.cmpi ne, %add3A_448, %ne3A_469 : vector<16xi32>
            %and3A_471 = arith.andi %broadcast_in_dim3A_468, %ne3A_470 : vector<16xi1>
            %ne3A_472 = vector.broadcast %reduce_min3A_233 : i32 to vector<16xi32>
            %ne3A_473 = arith.cmpi ne, %add3A_448, %ne3A_472 : vector<16xi32>
            %and3A_474 = arith.andi %and3A_471, %ne3A_473 : vector<16xi1>
            %ne3A_475 = vector.broadcast %reduce_min3A_266 : i32 to vector<16xi32>
            %ne3A_476 = arith.cmpi ne, %add3A_448, %ne3A_475 : vector<16xi32>
            %and3A_477 = arith.andi %and3A_474, %ne3A_476 : vector<16xi1>
            %ne3A_478 = vector.broadcast %reduce_min3A_298 : i32 to vector<16xi32>
            %ne3A_479 = arith.cmpi ne, %add3A_448, %ne3A_478 : vector<16xi32>
            %and3A_480 = arith.andi %and3A_477, %ne3A_479 : vector<16xi1>
            %ne3A_481 = vector.broadcast %reduce_min3A_330 : i32 to vector<16xi32>
            %ne3A_482 = arith.cmpi ne, %add3A_448, %ne3A_481 : vector<16xi32>
            %and3A_483 = arith.andi %and3A_480, %ne3A_482 : vector<16xi1>
            %ne3A_484 = vector.broadcast %reduce_min3A_362 : i32 to vector<16xi32>
            %ne3A_485 = arith.cmpi ne, %add3A_448, %ne3A_484 : vector<16xi32>
            %and3A_486 = arith.andi %and3A_483, %ne3A_485 : vector<16xi1>
            %ne3A_487 = vector.broadcast %reduce_min3A_394 : i32 to vector<16xi32>
            %ne3A_488 = arith.cmpi ne, %add3A_448, %ne3A_487 : vector<16xi32>
            %and3A_489 = arith.andi %and3A_486, %ne3A_488 : vector<16xi1>
            %jit3A_490 = arith.constant 3.000000e+38 : f32
            %broadcast_in_dim3A_491 = vector.broadcast %jit3A_490 : f32 to vector<16xf32>
            %select_n3A_492 = arith.select %and3A_489, %max3A_466, %broadcast_in_dim3A_491 : vector<16xi1>, vector<16xf32>
            %lt3A_493 = arith.cmpf olt, %select_n3A_492, %scan3A_443 : vector<16xf32>
            %select_n3A_494 = arith.select %lt3A_493, %select_n3A_492, %scan3A_443 : vector<16xi1>, vector<16xf32>
            %select_n3A_495 = arith.select %lt3A_493, %add3A_448, %scan3A_444 : vector<16xi1>, vector<16xi32>
            scf.yield %select_n3A_494, %select_n3A_495 : vector<16xf32>, vector<16xi32>
          }
          %scan3A_409 = arith.constant 256 : i32
          %reduce_min3A_410 = arith.constant true
          %reduce_min3A_411 = vector.broadcast %reduce_min3A_410 : i1 to vector<16xi1>
          %reduce_min3A_412 = tpu.scan <min>, %scan3A_408#0 masked %reduce_min3A_411 : vector<16xf32>, vector<16xi1> -> vector<16xf32>
          %reduce_min3A_413 = vector.extract %reduce_min3A_412[15] : f32 from vector<16xf32>
          %eq3A_414 = vector.broadcast %reduce_min3A_413 : f32 to vector<16xf32>
          %eq3A_415 = arith.cmpf oeq, %scan3A_408#0, %eq3A_414 : vector<16xf32>
          %jit3A_416 = arith.constant 1073741824 : i32
          %broadcast_in_dim3A_417 = vector.broadcast %jit3A_416 : i32 to vector<16xi32>
          %select_n3A_418 = arith.select %eq3A_415, %scan3A_408#1, %broadcast_in_dim3A_417 : vector<16xi1>, vector<16xi32>
          %reduce_min3A_419 = arith.constant true
          %reduce_min3A_420 = vector.broadcast %reduce_min3A_419 : i1 to vector<16xi1>
          %reduce_min3A_421 = arith.constant -2147483648 : i32
          %reduce_min3A_422 = vector.broadcast %reduce_min3A_421 : i32 to vector<16xi32>
          %reduce_min3A_423 = arith.xori %select_n3A_418, %reduce_min3A_422 : vector<16xi32>
          %reduce_min3A_424 = tpu.scan <min>, %reduce_min3A_423 masked %reduce_min3A_420 : vector<16xi32>, vector<16xi1> -> vector<16xi32>
          %reduce_min3A_425 = arith.xori %reduce_min3A_424, %reduce_min3A_422 : vector<16xi32>
          %reduce_min3A_426 = vector.extract %reduce_min3A_425[15] : i32 from vector<16xi32>
          %sub3A_427 = arith.constant 5.000000e-04 : f32
          %sub3A_428 = arith.subf %sub3A_427, %reduce_min3A_413 : f32
          %max3A_429 = arith.constant 0.000000e+00 : f32
          %max3A_430 = arith.maximumf %sub3A_428, %max3A_429 : f32
          %add3A_431 = arith.addf %add3A_399, %max3A_430 : f32
          %get3A_432 = arith.constant 0 : i32
          %get3A_433 = arith.index_cast %get3A_432 : i32 to index
          %get3A_434 = memref.load %arg10[%get3A_433] : memref<1xf32, #tpu.memory_space<smem>>
          %sub3A_435 = arith.subf %reduce_sum3A_158, %mul3A_165 : f32
          %sub3A_436 = arith.subf %sub3A_435, %max3A_171 : f32
          %sub3A_437 = arith.subf %add3A_431, %sub3A_436 : f32
          %add3A_438 = arith.addf %get3A_434, %sub3A_437 : f32
          %swap3A_439 = arith.constant 0 : i32
          %swap3A_440 = arith.index_cast %swap3A_439 : i32 to index
          %swap3A_441 = memref.load %arg10[%swap3A_440] : memref<1xf32, #tpu.memory_space<smem>>
          memref.store %add3A_438, %arg10[%swap3A_440] : memref<1xf32, #tpu.memory_space<smem>>
        } else {
        }
        %add3A_177 = arith.addf %scan3A_91, %scan3A_153#0 : vector<16xf32>
        %add3A_178 = arith.addf %scan3A_92, %mul3A_165 : f32
        %add3A_179 = arith.addf %scan3A_93, %max3A_171 : f32
        scf.yield %add3A_177, %add3A_178, %add3A_179 : vector<16xf32>, f32, f32
      }
      %scan3A_89 = arith.constant 16 : i32
      scf.yield %scan3A_88#0, %scan3A_88#1, %scan3A_88#2 : vector<16xf32>, f32, f32
    }
    %scan3A_49 = arith.constant 32 : i32
    %reduce_sum3A = arith.constant true
    %reduce_sum3A_50 = vector.broadcast %reduce_sum3A : i1 to vector<16xi1>
    %reduce_sum3A_51 = tpu.scan <sum>, %scan3A_48#0 masked %reduce_sum3A_50 : vector<16xf32>, vector<16xi1> -> vector<16xf32>
    %reduce_sum3A_52 = vector.extract %reduce_sum3A_51[15] : f32 from vector<16xf32>
    %sub3A_53 = arith.subf %reduce_sum3A_52, %scan3A_48#1 : f32
    %sub3A_54 = arith.subf %sub3A_53, %scan3A_48#2 : f32
    %get3A = arith.constant 0 : i32
    %get3A_55 = arith.index_cast %get3A : i32 to index
    %get3A_56 = memref.load %arg10[%get3A_55] : memref<1xf32, #tpu.memory_space<smem>>
    %add3A_57 = arith.addf %sub3A_54, %get3A_56 : f32
    %eq3A_58 = arith.constant 0 : i32
    %eq3A_59 = vector.broadcast %eq3A_58 : i32 to vector<16xi32>
    %eq3A_60 = arith.cmpi eq, %iota3A, %eq3A_59 : vector<16xi32>
    %jit3A_61 = arith.constant 0.000000e+00 : f32
    %broadcast_in_dim3A_62 = vector.broadcast %add3A_57 : f32 to vector<16xf32>
    %broadcast_in_dim3A_63 = vector.broadcast %jit3A_61 : f32 to vector<16xf32>
    %select_n3A_64 = arith.select %eq3A_60, %broadcast_in_dim3A_62, %broadcast_in_dim3A_63 : vector<16xi1>, vector<16xf32>
    %swap3A_65 = arith.constant 0 : index
    %swap3A_66 = tpu.vector_load %arg9[%swap3A_65] {strides = array<i32>} : memref<16xf32, #tpu.memory_space<vmem>>, vector<16xf32>,
    tpu.vector_store %arg9[%swap3A_65], %select_n3A_64 {strides = array<i32>} : memref<16xf32, #tpu.memory_space<vmem>>, vector<16xf32>,
    "tpu.region"() ({
      %run_scoped3A = tpu.sem_alloc : memref<!tpu.dma_semaphore, #tpu.memory_space<semaphore_mem>>
      %dma_start3A = arith.constant 0 : i32
      %dma_start3A_67 = tpu.memref_slice %arg4[%add3A, %dma_start3A] : memref<32x16xf32, #tpu.memory_space<hbm>> -> memref<1x16xf32, #tpu.memory_space<hbm>>
      %dma_start3A_68 = tpu.memref_squeeze %dma_start3A_67 : memref<1x16xf32, #tpu.memory_space<hbm>> -> memref<16xf32, #tpu.memory_space<hbm>>
      %dma_start3A_69 = arith.constant 0 : i32
      %dma_start3A_70 = tpu.memref_slice %arg4[%add3A, %dma_start3A_69] : memref<32x16xf32, #tpu.memory_space<hbm>> -> memref<1x16xf32, #tpu.memory_space<hbm>>
      %dma_start3A_71 = tpu.memref_squeeze %dma_start3A_70 : memref<1x16xf32, #tpu.memory_space<hbm>> -> memref<16xf32, #tpu.memory_space<hbm>>
      tpu.enqueue_dma source(%arg9 : memref<16xf32, #tpu.memory_space<vmem>>) target(%dma_start3A_71 : memref<16xf32, #tpu.memory_space<hbm>>) target_semaphore(%run_scoped3A : memref<!tpu.dma_semaphore, #tpu.memory_space<semaphore_mem>>)
      %dma_wait3A = arith.constant 0 : i32
      %dma_wait3A_72 = tpu.memref_slice %arg4[%add3A, %dma_wait3A] : memref<32x16xf32, #tpu.memory_space<hbm>> -> memref<1x16xf32, #tpu.memory_space<hbm>>
      %dma_wait3A_73 = tpu.memref_squeeze %dma_wait3A_72 : memref<1x16xf32, #tpu.memory_space<hbm>> -> memref<16xf32, #tpu.memory_space<hbm>>
      %dma_wait3A_74 = arith.constant 0 : i32
      %dma_wait3A_75 = tpu.memref_slice %arg4[%add3A, %dma_wait3A_74] : memref<32x16xf32, #tpu.memory_space<hbm>> -> memref<1x16xf32, #tpu.memory_space<hbm>>
      %dma_wait3A_76 = tpu.memref_squeeze %dma_wait3A_75 : memref<1x16xf32, #tpu.memory_space<hbm>> -> memref<16xf32, #tpu.memory_space<hbm>>
      tpu.wait_dma2 semaphore(%run_scoped3A : memref<!tpu.dma_semaphore, #tpu.memory_space<semaphore_mem>>) src(%arg9 : memref<16xf32, #tpu.memory_space<vmem>>) dst(%dma_wait3A_76 : memref<16xf32, #tpu.memory_space<hbm>>)
      tpu.yield
    }) : () -> ()
    return
  }
}

</mosaic_0001>

<sc_bundles>
// kernel: kernel.3.cloned.1.call-start
scs
__scs_entry_jumppad:
0x0: {  	(pc) =	sbr.rel $0x88, $3  }
0x1: {  	(tag) =	ssettag $0x0;
	lr =	simm.s32 $0x1  }
0x2: {  	[smem:$0x3FA0] =	sst lr;
	_ =	strace $0xD0000000  }
0x3: {  	_ = 	snop  }
0x4: {  	_ = 	snop  }
0x5: {  	_ = 	snop  }
0x6: {  	_ = 	snop  }
0x7: {  	_ = 	snop  }
__scs_overlays_trampoline_lowered:
0x8: {  	[smem:$0x3FAF] =	sst s0  }
0x9: {  	[smem:$0x3FB0] =	sst s1  }
0xa: {  	[smem:$0x3FB1] =	sst s2  }
0xb: {  	[smem:$0x3FB2] =	sst s3  }
0xc: {  	[smem:$0x3FB3] =	sst s4  }
0xd: {  	[smem:$0x3FB4] =	sst s5  }
0xe: {  	[smem:$0x3FB5] =	sst s6  }
0xf: {  	[smem:$0x3FB6] =	sst s7  }
0x10: {  	[smem:$0x3FB7] =	sst s8  }
0x11: {  	[smem:$0x3FB8] =	sst s9;
	s0 =	simm.s32 @!p0 $0x0  }
0x12: {  	s1 =	sld [smem:$0x3F9E];
	s0 =	simm.s32 @p0 $0x1  }
0x13: {  	[smem:$0x3FB9] =	sst s0;
	s0 =	simm.s32 @!p1 $0x0  }
0x14: {  	s2 =	sld [smem:$0x3F9D];
	s0 =	simm.s32 @p1 $0x1  }
0x15: {  	[smem:$0x3FBA] =	sst s0;
	s0 =	simm.s32 @!p2 $0x0  }
0x16: {  	s3 =	sld [smem:$0x3FDB];
	s0 =	simm.s32 @p2 $0x1  }
0x17: {  	s4 =	simm.s32 $0x1BF5;
	[smem:$0x3FBC] =	sst s0  }
0x18: {  	s0 =	sld [smem:$0x3F9F];
	_ =	swait.ge [sflag:s4], $0x0  }
0x19: {  	s7 =	sld [smem:$0x3FA0]  }
0x1a: {  	s8 =	sadd.s32 $0xFFFFE003, lr  }
0x1b: {  	s9 =	sadd.s32 $0xFFFFFEF7, lr;
	s5 =	simm.s32 $0xFFFFFFFF;
	p2 =	slt.u32 s8, $0xFFFFF086  }
0x1c: {  	p1 =	slt.u32 s9, $0xF7A;
	s5 =	simm.s32 @!p2 $0x0  }
0x1d: {  	s5 =	simm.s32 @p1 $0x1;
	p0 =	seq.s32 s7, s2  }
0x1e: {  	s7 =	smul.u32 @!p0 $0xF7A, s2;
	p2 =	seq.s32 @!p0 s5, $0x0  }
0x1f: {  	s9 =	smul.u32 $0xF7A, s1;
	s8 =	simm.s32 @!p0 $0x1BF5;
	p2 =	por !p2, p0  }
0x20: {  	[sflag:s8] =	ssyncset.s32 @!p0 $0xFFFFF086;
	s6 =	sadd.s32 @!p0 s3, s7;
	s7 =	simm.s32 @!p0 $0x108  }
0x21: {  	s3 =	sadd.s32 s3, s9;
	s6 =	sadd.s32 @!p0 $0x88, s6;
	s7 =	simm.s32 @p2 $0x1082  }
0x22: {  	[simem:s7], [sflag:s8] =	dma.local @!p0 [hbm:s6], $0xF7A  }
0x23: {  	s9 =	sor.u32 $0xD0000000, s2;
	s6 =	simm.s32 $0x108;
	_ =	swait.ge @!p0 [sflag:s8], $0x0  }
0x24: {  	s3 =	sadd.s32 $0x88, s3;
	s6 =	simm.s32 @!p1 $0x1082;
	[sflag:s4] =	ssyncset.s32 $0xFFFFF086  }
0x25: {  	[simem:s6], [sflag:s4] =	dma.local [hbm:s3], $0xF7A  }
0x26: {  	[smem:$0x3FA0] =	sst s1;
	(tag) =	ssettag s2;
	_ =	strace s9  }
0x27: {  	s1 =	sld [smem:$0x3FB0]  }
0x28: {  	s2 =	sld [smem:$0x3FB1]  }
0x29: {  	s4 =	sld [smem:$0x3FB3]  }
0x2a: {  	p0 =	seq.s32 s5, $0x0;
	s5 =	sld [smem:$0x3FB4]  }
0x2b: {  	s6 =	sld [smem:$0x3FB5]  }
0x2c: {  	s7 =	sld [smem:$0x3FB6]  }
0x2d: {  	s3 =	simm.s32 $0x108;
	s8 =	sld [smem:$0x3FB7]  }
0x2e: {  	s3 =	simm.s32 @!p0 $0x1082;
	s9 =	sld [smem:$0x3FB8]  }
0x2f: {  	lr =	sadd.s32 s0, s3;
	s0 =	sld [smem:$0x3FAF]  }
0x30: {  	s3 =	sld [smem:$0x3FB2]  }
0x31: {  	[smem:$0x3FBB] =	sst s10  }
0x32: {  	s10 =	sld [smem:$0x3FB9];
	_ =	sdelay $0x3  }
0x33: {  	p0 =	seq.s32 s10, $0x1;
	s10 =	sld [smem:$0x3FBB];
	_ =	sdelay $0x3  }
0x34: {  	[smem:$0x3FBB] =	sst s10  }
0x35: {  	s10 =	sld [smem:$0x3FBA];
	_ =	sdelay $0x3  }
0x36: {  	p1 =	seq.s32 s10, $0x1;
	s10 =	sld [smem:$0x3FBB];
	_ =	sdelay $0x3  }
0x37: {  	[smem:$0x3FBB] =	sst s10  }
0x38: {  	s10 =	sld [smem:$0x3FBC]  }
0x39: {  	_ = 	snop;
	(pc) =	sbr.ind lr, $3  }
0x3a: {  	_ = 	snop  }
0x3b: {  	_ = 	snop  }
0x3c: {  	p2 =	seq.s32 s10, $0x1;
	s10 =	sld [smem:$0x3FBB]  }
0x3d: {  	_ =	shalt  }
0x3e: {  	_ =	shalt  }
0x3f: {  	_ =	shalt  }
0x40: {  	_ =	shalt  }
0x41: {  	_ =	shalt  }
0x42: {  	_ =	shalt  }
0x43: {  	_ =	shalt  }
0x44: {  	_ =	shalt  }
0x45: {  	_ =	shalt  }
0x46: {  	_ =	shalt  }
0x47: {  	_ =	shalt  }
0x48: {  	_ =	shalt  }
0x49: {  	_ =	shalt  }
0x4a: {  	_ =	shalt  }
0x4b: {  	_ =	shalt  }
0x4c: {  	_ =	shalt  }
0x4d: {  	_ =	shalt  }
0x4e: {  	_ =	shalt  }
0x4f: {  	_ =	shalt  }
0x50: {  	_ =	shalt  }
0x51: {  	_ =	shalt  }
0x52: {  	_ =	shalt  }
0x53: {  	_ =	shalt  }
0x54: {  	_ =	shalt  }
0x55: {  	_ =	shalt  }
0x56: {  	_ =	shalt  }
0x57: {  	_ =	shalt  }
0x58: {  	_ =	shalt  }
0x59: {  	_ =	shalt  }
0x5a: {  	_ =	shalt  }
0x5b: {  	_ =	shalt  }
0x5c: {  	_ =	shalt  }
0x5d: {  	_ =	shalt  }
0x5e: {  	_ =	shalt  }
0x5f: {  	_ =	shalt  }
0x60: {  	_ =	shalt  }
0x61: {  	_ =	shalt  }
0x62: {  	_ =	shalt  }
0x63: {  	_ =	shalt  }
0x64: {  	_ =	shalt  }
0x65: {  	_ =	shalt  }
0x66: {  	_ =	shalt  }
0x67: {  	_ =	shalt  }
0x68: {  	_ =	shalt  }
0x69: {  	_ =	shalt  }
0x6a: {  	_ =	shalt  }
0x6b: {  	_ =	shalt  }
0x6c: {  	_ =	shalt  }
0x6d: {  	_ =	shalt  }
0x6e: {  	_ =	shalt  }
0x6f: {  	_ =	shalt  }
0x70: {  	_ =	shalt  }
0x71: {  	_ =	shalt  }
0x72: {  	_ =	shalt  }
0x73: {  	_ =	shalt  }
0x74: {  	_ =	shalt  }
0x75: {  	_ =	shalt  }
0x76: {  	_ =	shalt  }
0x77: {  	_ =	shalt  }
0x78: {  	_ =	shalt  }
0x79: {  	_ =	shalt  }
0x7a: {  	_ =	shalt  }
0x7b: {  	_ =	shalt  }
0x7c: {  	_ =	shalt  }
0x7d: {  	_ =	shalt  }
0x7e: {  	_ =	shalt  }
0x7f: {  	_ =	shalt  }
0x80: {  	_ =	shalt  }
0x81: {  	_ =	shalt  }
0x82: {  	_ =	shalt  }
0x83: {  	_ =	shalt  }
0x84: {  	_ =	shalt  }
0x85: {  	_ =	shalt  }
0x86: {  	_ =	shalt  }
0x87: {  	_ =	shalt  }
.Lfunc_end0:
.L_simem_size_0:
called_computation_lowered:
.L_overlay_start_0:
0x88: {  	s2 =	sld [smem:$0x3FD9]  }
0x89: {  	s3 =	sld [smem:$0x3FFE];
	_ =	sdelay $0x1  }
0x8a: {  	s1 =	srdreg.scid  }
0x8b: {  	s0 =	sand.u32 $0x1, s1  }
0x8c: {  	s16 =	sshll.u32 s0, $0xA;
	s2 =	sadd.s32 s3, s2  }
0x8d: {  	s2 =	sadd.s32 s2, s16  }
0x8e: {  	[smem:$0x3FC7] =	sst s2  }
0x8f: {  	_ = 	snop  }
0x90: {  	(tm) =	ssettm $0x1  }
0x91: {  	s17 =	sld [smem:$0x3FFB];
	_ =	sdelay $0x3  }
0x92: {  	_ =	strace s17  }
0x93: {  	s2 =	sld [smem:$0x3FFC];
	_ =	sdelay $0x3  }
0x94: {  	_ =	strace s2  }
0x95: {  	s2 =	sld [smem:$0x3FFD];
	_ =	sdelay $0x3  }
0x96: {  	_ =	strace s2  }
0x97: {  	_ =	strace $0x8FFFFFFF  }
0x98: {  	s18 =	sld [smem:$0x3FDB];
	_ =	sdelay $0x1  }
0x99: {  	s19 =	simm.s32 $_scs_section_size  }
0x9a: {  	s4 =	simm.s32 $_size__tile_overlayer_lowered;
	s5 =	simm.s32 $_tile_overlayer_lowered  }
0x9b: {  	s22 =	simm.s32 $0x1BFF;
	s21 =	sshll.u32 s5, $0x1;
	s2 =	sadd.s32 s19, s18  }
0x9c: {  	s6 =	simm.s32 $0x0;
	s20 =	sshll.u32 s4, $0x1;
	s4 =	sadd.s32 s21, s2  }
0x9d: {  	[timem:s6], [sflag:s22] =	dma.local [hbm:s4], s20  }
0x9e: {  	_ =	swait.ge [sflag:s22], s20  }
0x9f: {  	s3 =	ssub.s32 $0x0, s20;
	[sflag:s22] =	ssyncset.done $0x0  }
0xa0: {  	[sflag:s22] =	ssyncadd.s32 s3;
	_ =	sdelay $0x1  }
0xa1: {  	s23 =	simm.s32 $0x1B8B  }
0xa2: {  	_ =	swait.ge [sflag:s23], $0x1  }
0xa3: {  	[sflag:s23] =	ssyncset.done $0x0  }
0xa4: {  	s25 =	simm.s32 $0x1B8E;
	s24 =	sld [smem:$0x3FFE];
	[sflag:s23] =	ssyncadd.s32 $0xFFFFFFFF  }
0xa5: {  	s26 =	simm.s32 $execute0_lowered;
	[smem:$0x3FD2] =	sst s25  }
0xa6: {  	s4 =	sshll.u32 s26, $0x1;
	_ =	strace $0x80000046;
	[dreg:$0x1] =	wrdreg $0xFFFFFFFF  }
0xa7: {  	s28 =	simm.s32 $_size_execute0_lowered;
	s2 =	sadd.s32 s2, s4;
	[dreg:$0x0] =	wrdreg $0x0  }
0xa8: {  	s4 =	sshll.u32 s28, $0x1;
	[dreg:$0x2] =	wrdreg s2  }
0xa9: {  	[dreg:$0x3] =	wrdreg s4  }
0xaa: {  	[dreg:$0x4] =	wrdreg $0xC0  }
0xab: {  	_ =	task [dreg:s6], $0x5FFFF  }
0xac: {  	[dreg:$0x1] =	wrdreg $0xFFFFFFFF  }
0xad: {  	[dreg:$0x0] =	wrdreg $0x60  }
0xae: {  	[dreg:$0x2] =	wrdreg s24  }
0xaf: {  	[dreg:$0x3] =	wrdreg $0x9  }
0xb0: {  	_ =	task.clear_ibuf [dreg:s6], $0x4FFFF;
	_ =	strace $0x90000046  }
0xb1: {  	s29 =	simm.s32 $0x9;
	_ =	strace $0x80000048  }
0xb2: {  	_ =	swait.ge [sflag:s29], $0x1  }
0xb3: {  	[sflag:s29] =	ssyncadd.s32 $0xFFFFFFFF  }
0xb4: {  	_ =	strace $0x90000048  }
0xb5: {  	_ =	sfence  }
0xb6: {  	s30 =	sld [smem:$0x0];
	_ =	sdelay $0x2  }
0xb7: {  	s31 =	sshll.u32 s1, $0xD;
	s1 =	sshrl.u32 s1, $0x2  }
0xb8: {  	s3 =	sand.u32 $0x4000, s31;
	s1 =	sadd.s32 s1, s30  }
0xb9: {  	s0 =	sor.u32 s3, s0;
	s1 =	sshll.u32 s1, $0x11  }
0xba: {  	s0 =	sor.u32 s1, s0  }
0xbb: {  	s0 =	sadd.s32 $0x8F2B, s0  }
0xbc: {  	[sflag:s0] =	ssyncadd.remote.s32 $0x1  }
0xbd: {  	_ =	sfence.sel $0xFFFF  }
0xbe: {  	[dreg:$0x0] =	wrdreg $0xFFFFFFFF;
	(pc) =	sbr.abs _section_cstart, $3  }
0xbf: {  	[dreg:$0x1] =	wrdreg $0xFFFFFFFF  }
0xc0: {  	_ =	task.clear_ibuf [dreg:s6], $0x2FFFF;
	_ =	strace $0x9FFFFFFF  }
0xc1: {  	(tm) =	ssettm $0x7FFFFFFF  }
tec
execute0_lowered:
.L_overlay_start_1:
0x0: {  	(tag) =	ssettag $0x1  }
0x1: {  	s6 =	rddreg [dreg:$0x0]  }
0x2: {  	s0 =	rddreg [dreg:$0x1];
	s2 =	simm.s32 $0x0;
	s1 =	stileid.u32  }
0x3: {  	s3 =	srdreg.scid;
	s11 =	simm.s32 $0x1000;
	s12 =	simm.s32 $0x2000  }
0x4: {  	s13 =	simm.s32 $0x3000;
	s14 =	simm.s32 $0x4000;
	s15 =	simm.s32 $0x0  }
0x5: {  	[smem:$0x7FF] =	sst s2;
	s4 =	sshrl.u32 s1, $0x2;
	s3 =	sand.u32 $0x1, s3  }
0x6: {  	s7 =	sshll.u32 s1, $0x1;
	s5 =	smul.u32 $0x3000, s4;
	_ =	strace $0x80000047  }
0x7: {  	s7 =	sor.u32 s3, s7;
	s3 =	ssub.s32 $0x2, s3;
	s10 =	sshll.u32 s4, $0x9  }
.Ltmp0:
0x8: {  	s8 =	sshll.u32 s7, $0x4;
	s9 =	sshrl.u32 s3, $0x1;
	(pc) =	sbr.rel .LBB2_1-.Ltmp0, $4  }
0x9: {  	s7 =	sshll.u32 s7, $0x9;
	s5 =	sshrl.u32 s5, $0x3;
	s8 =	sadd.s32 s8, s6  }
0xa: {  	s9 =	ssub.s32 s3, s9;
	s5 =	sadd.s32 s5, s6;
	s6 =	sadd.s32 s6, s10  }
0xb: {  	s8 =	sadd.s32 $0x2000, s8;
	s9 =	smax.u32 s9, $0x1;
	s10 =	simm.s32 $0x1  }
0xc: {  	v0 =	vlaneseq.u32;
	vm0 =	vcmask $0x300;
	s3 =	sadd.s32 $0x800, s5;
	s4 =	sadd.s32 $0xA00, s5;
	s5 =	sadd.s32 $0xC00, s5  }
.LBB2_25:
0xd: {  	(xrf2) =	vadd.scan.msk.f32 $0xffff, v1;
	_ =	sdelay $0x9  }
0xe: {  	v1, _, _ =	vpop (xrf2)  }
0xf: {  	(v2sf) =	vpush v1, $0xF;
	_ =	sdelay $0xe  }
0x10: {  	s18 =	spop (v2sf)  }
0x11: {  	s17 =	ssub.f32 s18, s17  }
0x12: {  	s31 =	sld [smem:$0x0]  }
0x13: {  	s16 =	ssub.f32 s17, s16;
	_ =	sdelay $0x1  }
0x14: {  	s16 =	sadd.f32 s31, s16;
	_ =	sdelay $0x1  }
0x15: {  	s15 =	sadd.s32 $0x1, s15;
	v1 =	vmov s16  }
0x16: {  	p0 =	sne.s32 s15, s9;
	v1 =	vnsel vm0, $0x0, v1  }
.Ltmp1:
0x17: {  	[tilespmem:$0x4000] =	vst v1;
	(pc) =	sbr.rel @!p0 .LBB2_26-.Ltmp1, $4  }
0x18: {  	[hbm4b:s8+s2] =	stream.linear.scatter [tilespmem:s14], [sflag:$0x1], $0x80, $0x38;
	[tilespmem:$0x4080] =	vst v63  }
0x19: {  	_ =	swait.ge [sflag:s10], $0x80  }
0x1a: {  	[sflag:s10] =	ssyncset.done $0x0  }
0x1b: {  	[sflag:s10] =	ssyncadd.s32 $0xFFFFFF80  }
.LBB2_1:
0x1c: {  	[tilespmem:s2], [sflag:$0x1] =	stream.linear.gather [hbm4b:s3+s2], $0x1000, $0x38;
	[tilespmem:$0x4080] =	vst v63  }
0x1d: {  	_ =	swait.ge [sflag:s10], $0x1000  }
0x1e: {  	[sflag:s10] =	ssyncset.done $0x0  }
0x1f: {  	[sflag:s10] =	ssyncadd.s32 $0xFFFFF000  }
0x20: {  	[tilespmem:s11], [sflag:$0x1] =	stream.linear.gather [hbm4b:s4+s2], $0x1000, $0x38;
	[tilespmem:$0x4080] =	vst v63  }
0x21: {  	_ =	swait.ge [sflag:s10], $0x1000  }
0x22: {  	[sflag:s10] =	ssyncset.done $0x0  }
0x23: {  	[sflag:s10] =	ssyncadd.s32 $0xFFFFF000  }
0x24: {  	[tilespmem:s12], [sflag:$0x1] =	stream.linear.gather [hbm4b:s5+s2], $0x1000, $0x38;
	[tilespmem:$0x4080] =	vst v63  }
0x25: {  	_ =	swait.ge [sflag:s10], $0x1000  }
0x26: {  	[sflag:s10] =	ssyncset.done $0x0  }
0x27: {  	[sflag:s10] =	ssyncadd.s32 $0xFFFFF000  }
0x28: {  	[tilespmem:s13], [sflag:$0x1] =	stream.linear.gather [hbm4b:s6+s2], $0x1000, $0x38;
	[tilespmem:$0x4080] =	vst v63  }
.Ltmp2:
0x29: {  	_ = 	snop;
	(pc) =	sbr.rel .LBB2_2-.Ltmp2, $4  }
0x2a: {  	_ =	swait.ge [sflag:s10], $0x1000  }
0x2b: {  	[sflag:s10] =	ssyncset.done $0x0  }
0x2c: {  	s16 =	simm.f32 $0.0e+00;
	[sflag:s10] =	ssyncadd.s32 $0xFFFFF000  }
0x2d: {  	v1 =	vimm.f32 $0.0e+00;
	s17 =	simm.f32 $0.0e+00;
	s18 =	simm.s32 $0x0;
	[smem:$0x0] =	sst s2  }
.LBB2_24:
0x2e: {  	s18 =	sadd.s32 $0x1, s18  }
0x2f: {  	p0 =	sne.s32 s18, $0x20  }
.Ltmp3:
0x30: {  	_ = 	snop;
	(pc) =	sbr.rel @!p0 .LBB2_25-.Ltmp3, $1  }
0x31: {  	_ =	sdelay $0x3  }
.LBB2_2:
0x32: {  	s19 =	sshll.u32 s18, $0x4  }
0x33: {  	s20 =	sadd.s32 s7, s19  }
0x34: {  	s19 =	sand.u32 $0x70, s19;
	s20 =	sand.u32 $0xF80, s20  }
.Ltmp4:
0x35: {  	s19 =	sor.u32 s19, s20;
	(pc) =	sbr.rel .LBB2_3-.Ltmp4, $4  }
0x36: {  	v2 =	vld [tilespmem:s19+$0x0]  }
0x37: {  	v3 =	vld [tilespmem:s19+$0x1000]  }
0x38: {  	v4 =	vld [tilespmem:s19+$0x2000]  }
0x39: {  	v5 =	vld [tilespmem:s19+$0x3000];
	s19 =	simm.s32 $0x0  }
.LBB2_22:
0x3a: {  	s24 =	sadd.s32 $0x10, s24  }
0x3b: {  	vm1 =	vmand vm1, vm2;
	v30 =	vld [tilespmem:s24+$0x0]  }
0x3c: {  	vm2 =	vne.s32 v25, v19;
	v28 =	vsub.f32 v29, v28;
	s23 =	sadd.s32 $0x10, s23;
	v8 =	vmul.f32 v26, v8  }
0x3d: {  	v9 =	vmul.f32 v27, v9;
	v63 =	vor.u32 s25, v0;
	vm1 =	vmand vm2, vm1;
	v62 =	vld [tilespmem:s23+$0x0]  }
0x3e: {  	vm2 =	vne.s32 v25, v21;
	vm3 =	vne.s32 v63, v11;
	vm4 =	vne.s32 v63, v13  }
0x3f: {  	vm15 =	vne.s32 v63, v15;
	vm1 =	vmand vm2, vm1;
	vm2 =	vne.s32 v25, v24  }
0x40: {  	v8 =	vadd.f32 v9, v8;
	vm3 =	vmand vm3, vm4;
	v7 =	vmul.f32 v30, v7  }
0x41: {  	v9 =	vmax.f32 v28, $0.0e+00;
	vm1 =	vmand vm2, vm1;
	vm2 =	vmand vm15, vm3  }
0x42: {  	vm3 =	vne.s32 v63, v17;
	v6 =	vadd.f32 v62, v6;
	v7 =	vadd.f32 v7, v8  }
0x43: {  	v8 =	vnsel vm1, $0x7F61B1E6, v9;
	vm1 =	vmand vm3, vm2;
	vm2 =	vne.s32 v63, v19  }
0x44: {  	vm1 =	vmand vm2, vm1;
	vm2 =	vne.s32 v63, v21;
	v6 =	vsub.f32 v6, v7  }
0x45: {  	(v2sf) =	vpush v12, $0xF;
	vm1 =	vmand vm2, vm1;
	vm2 =	vne.s32 v63, v24  }
0x46: {  	vm3 =	vlt.f32 v8, v23;
	vm1 =	vmand vm2, vm1;
	v6 =	vmax.f32 v6, $0.0e+00  }
0x47: {  	(v2sf) =	vpush v14, $0xF;
	v7 =	vsel vm3, v8, v23;
	v6 =	vnsel vm1, $0x7F61B1E6, v6  }
0x48: {  	vm1 =	vlt.f32 v6, v7  }
0x49: {  	(v2sf) =	vpush v16, $0xF;
	v6 =	vsel vm1, v6, v7  }
0x4a: {  	(xrf0) =	vmin.scan.msk.f32 $0xffff, v6  }
0x4b: {  	(v2sf) =	vpush v18, $0xF;
	_ =	sdelay $0x1  }
0x4c: {  	(v2sf) =	vpush v20, $0xF;
	_ =	sdelay $0x1  }
0x4d: {  	(v2sf) =	vpush v22, $0xF  }
0x4e: {  	v6, _, _ =	vpop (xrf0)  }
0x4f: {  	(v2sf) =	vpush v6, $0xF;
	_ =	sdelay $0x3  }
0x50: {  	s22 =	ssub.f32 s21, s22;
	s28 =	spop (v2sf)  }
0x51: {  	s29 =	spop (v2sf);
	s23 =	ssub.f32 $5.000000240e-04, s28  }
0x52: {  	s24 =	ssub.f32 $5.000000240e-04, s29  }
0x53: {  	s30 =	spop (v2sf);
	s23 =	smax.f32 s23, $0.0e+00  }
0x54: {  	s25 =	ssub.f32 $5.000000240e-04, s30;
	s24 =	smax.f32 s24, $0.0e+00  }
0x55: {  	s31 =	spop (v2sf);
	s23 =	sadd.f32 s24, s23  }
0x56: {  	s25 =	smax.f32 s25, $0.0e+00;
	s24 =	ssub.f32 $5.000000240e-04, s31  }
0x57: {  	s26 =	spop (v2sf);
	s23 =	sadd.f32 s25, s23  }
0x58: {  	s24 =	smax.f32 s24, $0.0e+00;
	s25 =	ssub.f32 $5.000000240e-04, s26  }
0x59: {  	s28 =	spop (v2sf);
	s23 =	sadd.f32 s24, s23  }
0x5a: {  	s25 =	smax.f32 s25, $0.0e+00;
	s24 =	ssub.f32 $5.000000240e-04, s28  }
0x5b: {  	s23 =	sadd.f32 s25, s23;
	s29 =	spop (v2sf)  }
0x5c: {  	s24 =	smax.f32 s24, $0.0e+00;
	s25 =	ssub.f32 $5.000000240e-04, s29  }
0x5d: {  	s23 =	sadd.f32 s24, s23  }
0x5e: {  	s22 =	sadd.f32 s22, s20;
	s30 =	smax.f32 s25, $0.0e+00  }
0x5f: {  	s23 =	sadd.f32 s30, s23  }
0x60: {  	s31 =	sld [smem:$0x0]  }
0x61: {  	s22 =	sadd.f32 s23, s22;
	_ =	sdelay $0x1  }
0x62: {  	s22 =	sadd.f32 s31, s22;
	_ =	sdelay $0x1  }
0x63: {  	[smem:$0x0] =	sst s22  }
.LBB2_23:
0x64: {  	s19 =	sadd.s32 $0x1, s19  }
0x65: {  	p0 =	sne.s32 s19, $0x10  }
.Ltmp5:
0x66: {  	_ = 	snop;
	(pc) =	sbr.rel @!p0 .LBB2_24-.Ltmp5, $3  }
0x67: {  	_ =	sdelay $0x1  }
0x68: {  	s17 =	sadd.f32 s21, s17;
	v1 =	vadd.f32 v10, v1  }
0x69: {  	s16 =	sadd.f32 s20, s16  }
.LBB2_3:
0x6a: {  	s23 =	simm.s32 $0x1040  }
0x6b: {  	s20 =	simm.s32 $0x40;
	v11 =	vld [tilespmem:s23+$0xFFFFFFE0]  }
0x6c: {  	s22 =	simm.s32 $0x3040;
	v12 =	vld [tilespmem:s20+$0xFFFFFFF0]  }
0x6d: {  	v13 =	vld [tilespmem:s22+$0xFFFFFFC0]  }
0x6e: {  	s21 =	simm.s32 $0x2040;
	v14 =	vld [tilespmem:s23+$0xFFFFFFF0]  }
0x6f: {  	v15 =	vld [tilespmem:s21+$0xFFFFFFC0]  }
0x70: {  	v16 =	vld [tilespmem:s20+$0xFFFFFFD0]  }
0x71: {  	v10 =	vmov s19;
	v6 =	vld [tilespmem:s23+$0xFFFFFFC0]  }
0x72: {  	v17 =	vld [tilespmem:s20+$0xFFFFFFC0];
	v9 =	vperm.xlane v3, v10  }
0x73: {  	v7 =	vperm.xlane v2, v10;
	v18 =	vld [tilespmem:s21+$0xFFFFFFE0]  }
0x74: {  	v19 =	vld [tilespmem:s23+$0xFFFFFFD0];
	v9 =	vadd.f32 v9, v9  }
0x75: {  	v20 =	vld [tilespmem:s20+$0xFFFFFFE0];
	v8 =	vadd.f32 v7, v7  }
0x76: {  	v23 =	vld [tilespmem:s21+$0xFFFFFFF0];
	v7 =	vperm.xlane v4, v10;
	v22 =	vmul.f32 v6, v9  }
0x77: {  	v21 =	vld [tilespmem:s22+$0xFFFFFFD0];
	v17 =	vmul.f32 v17, v8;
	v6 =	vperm.xlane v5, v10  }
0x78: {  	v24 =	vld [tilespmem:s22+$0xFFFFFFE0];
	v7 =	vadd.f32 v7, v7;
	v11 =	vmul.f32 v11, v9;
	v16 =	vmul.f32 v16, v8  }
0x79: {  	v25 =	vimm.f32 $3.000000010e+38;
	v26 =	vld [tilespmem:s21+$0xFFFFFFD0];
	v12 =	vmul.f32 v12, v8;
	v14 =	vmul.f32 v14, v9  }
0x7a: {  	v20 =	vmul.f32 v20, v8;
	v15 =	vmul.f32 v15, v7;
	v17 =	vadd.f32 v22, v17;
	v22 =	vld [tilespmem:s22+$0xFFFFFFF0]  }
0x7b: {  	v27 =	vld [tilespmem:s20+$0x0];
	v13 =	vadd.f32 v13, v6;
	v12 =	vadd.f32 v14, v12;
	v14 =	vmul.f32 v23, v7  }
0x7c: {  	v29 =	vld [tilespmem:s23+$0x30];
	v18 =	vmul.f32 v18, v7;
	v11 =	vadd.f32 v11, v20;
	v15 =	vadd.f32 v15, v17  }
0x7d: {  	v19 =	vmul.f32 v19, v9;
	v20 =	vadd.f32 v24, v6;
	v17 =	vld [tilespmem:s23+$0x0];
	v12 =	vadd.f32 v14, v12  }
0x7e: {  	v10 =	vimm.f32 $0.0e+00;
	v23 =	vld [tilespmem:s23+$0x10];
	v11 =	vadd.f32 v18, v11;
	v13 =	vsub.f32 v13, v15  }
0x7f: {  	v24 =	vmul.f32 v26, v7;
	v26 =	vld [tilespmem:s20+$0x10];
	v15 =	vadd.f32 v19, v16;
	v14 =	vadd.f32 v22, v6  }
0x80: {  	v21 =	vadd.f32 v21, v6;
	v22 =	vld [tilespmem:s21+$0x0];
	v16 =	vmax.f32 v13, $0.0e+00;
	v13 =	vsub.f32 v20, v11  }
0x81: {  	v20 =	vmul.f32 v27, v8;
	v15 =	vadd.f32 v24, v15;
	v12 =	vsub.f32 v14, v12;
	v14 =	vld [tilespmem:s23+$0x20]  }
0x82: {  	v30 =	vld [tilespmem:s21+$0x20];
	v17 =	vmul.f32 v17, v9;
	v18 =	vsub.f32 $3.175000100e-02, v16;
	vm2 =	vlt.f32 v16, $5.000000240e-04  }
0x83: {  	v27 =	vmax.f32 v13, $0.0e+00;
	v21 =	vsub.f32 v21, v15;
	v11 =	vmax.f32 v12, $0.0e+00;
	v12 =	vld [tilespmem:s20+$0x20]  }
0x84: {  	v19 =	vld [tilespmem:s22+$0x0];
	v23 =	vmul.f32 v23, v9;
	vm1 =	vlt.f32 v27, $5.000000240e-04;
	v18 =	vnsel vm2, $0x0, v18  }
0x85: {  	v13 =	vld [tilespmem:s21+$0x10];
	v20 =	vadd.f32 v17, v20;
	v28 =	vmul.f32 v22, v7;
	v22 =	vmax.f32 v21, $0.0e+00  }
0x86: {  	v17 =	vld [tilespmem:s22+$0x10];
	v31 =	vmul.f32 v14, v9;
	v14 =	vmin.f32 v25, v16;
	v25 =	vmul.f32 v26, v8  }
0x87: {  	v15 =	vsub.f32 $3.175000100e-02, v27;
	v21 =	vld [tilespmem:s22+$0x20];
	vm2 =	vlt.f32 v22, $5.000000240e-04;
	v24 =	vsub.f32 $3.175000100e-02, v22  }
0x88: {  	v16 =	vld [tilespmem:s20+$0x30];
	v22 =	vmin.f32 v14, v22;
	v14 =	vadd.f32 v23, v25;
	v25 =	vmul.f32 v12, v8  }
0x89: {  	v26 =	vmul.f32 v30, v7;
	v12 =	vmin.f32 v22, v27;
	v23 =	vadd.f32 v19, v6;
	v22 =	vld [tilespmem:s22+$0x30]  }
0x8a: {  	s24 =	simm.s32 $0x30C0;
	s23 =	simm.s32 $0x10C0;
	v19 =	vmul.f32 v29, v9;
	s22 =	simm.s32 $0x0;
	v27 =	vadd.f32 v28, v20;
	v20 =	vld [tilespmem:s21+$0x30];
	v25 =	vadd.f32 v31, v25  }
.LBB2_4:
0x8b: {  	v28 =	vld [tilespmem:s23+$0xFFFFFFE0];
	s22 =	sadd.s32 $0x8, s22;
	v10 =	vadd.f32 v18, v10;
	v18 =	vnsel vm2, $0x0, v24;
	v13 =	vmul.f32 v13, v7;
	s20 =	sadd.s32 $0x80, s20;
	s21 =	sadd.s32 $0x80, s21  }
0x8c: {  	v15 =	vnsel vm1, $0x0, v15;
	v29 =	vsub.f32 $3.175000100e-02, v11;
	v24 =	vld [tilespmem:s20+$0xFFFFFFF0];
	p0 =	slt.u32 s22, $0xF8;
	v21 =	vadd.f32 v21, v6  }
0x8d: {  	v16 =	vmul.f32 v16, v8;
	v30 =	vld [tilespmem:s24+$0xFFFFFFC0];
	v10 =	vadd.f32 v18, v10;
	v18 =	vsub.f32 v23, v27  }
0x8e: {  	vm1 =	vlt.f32 v11, $5.000000240e-04;
	v25 =	vadd.f32 v26, v25;
	v23 =	vld [tilespmem:s23+$0xFFFFFFF0];
	v22 =	vadd.f32 v22, v6  }
0x8f: {  	v17 =	vadd.f32 v17, v6;
	v16 =	vadd.f32 v19, v16;
	v26 =	vld [tilespmem:s21+$0xFFFFFFD0];
	v18 =	vmax.f32 v18, $0.0e+00  }
0x90: {  	v20 =	vmul.f32 v20, v7;
	v19 =	vld [tilespmem:s21+$0xFFFFFFC0];
	v27 =	vmul.f32 v28, v9;
	v28 =	vsub.f32 $3.175000100e-02, v18  }
0x91: {  	v13 =	vadd.f32 v13, v14;
	v10 =	vadd.f32 v15, v10;
	vm2 =	vlt.f32 v18, $5.000000240e-04;
	v31 =	vld [tilespmem:s20+$0xFFFFFFD0]  }
0x92: {  	v15 =	vnsel vm1, $0x0, v29;
	v16 =	vadd.f32 v20, v16;
	v14 =	vld [tilespmem:s23+$0xFFFFFFC0];
	v28 =	vnsel vm2, $0x0, v28  }
0x93: {  	v11 =	vmin.f32 v12, v11;
	v12 =	vsub.f32 v17, v13;
	v13 =	vsub.f32 v21, v25;
	v20 =	vld [tilespmem:s20+$0xFFFFFFC0]  }
0x94: {  	v11 =	vmin.f32 v11, v18;
	v10 =	vadd.f32 v15, v10;
	v15 =	vsub.f32 v22, v16;
	v17 =	vld [tilespmem:s21+$0xFFFFFFE0]  }
0x95: {  	v12 =	vmax.f32 v12, $0.0e+00;
	v13 =	vmax.f32 v13, $0.0e+00;
	v16 =	vld [tilespmem:s23+$0xFFFFFFD0]  }
0x96: {  	v22 =	vsub.f32 $3.175000100e-02, v12;
	v18 =	vmul.f32 v19, v7;
	v19 =	vmul.f32 v31, v8;
	v21 =	vld [tilespmem:s20+$0xFFFFFFE0]  }
0x97: {  	v29 =	vsub.f32 $3.175000100e-02, v13;
	v25 =	vmul.f32 v26, v7;
	v14 =	vmul.f32 v14, v9;
	v26 =	vld [tilespmem:s24+$0xFFFFFFE0]  }
0x98: {  	v30 =	vadd.f32 v30, v6;
	v10 =	vadd.f32 v28, v10;
	v20 =	vmul.f32 v20, v8;
	v31 =	vld [tilespmem:s24+$0xFFFFFFD0]  }
0x99: {  	vm1 =	vlt.f32 v12, $5.000000240e-04;
	v11 =	vmin.f32 v11, v12;
	v17 =	vmul.f32 v17, v7;
	v28 =	vld [tilespmem:s21+$0xFFFFFFF0]  }
0x9a: {  	v12 =	vadd.f32 v14, v20;
	v14 =	vmul.f32 v24, v8;
	v20 =	vnsel vm1, $0x0, v22  }
0x9b: {  	v16 =	vmul.f32 v16, v9;
	v21 =	vmul.f32 v21, v8;
	v22 =	vld [tilespmem:s24+$0xFFFFFFF0];
	v10 =	vadd.f32 v20, v10  }
0x9c: {  	v11 =	vmin.f32 v11, v13;
	v12 =	vadd.f32 v18, v12;
	v18 =	vmul.f32 v23, v9;
	v20 =	vld [tilespmem:s20+$0x0]  }
0x9d: {  	vm1 =	vlt.f32 v13, $5.000000240e-04;
	v13 =	vmax.f32 v15, $0.0e+00;
	v23 =	vadd.f32 v31, v6;
	v24 =	vld [tilespmem:s23+$0x0]  }
0x9e: {  	v15 =	vadd.f32 v27, v21;
	v14 =	vadd.f32 v18, v14;
	v18 =	vmul.f32 v28, v7  }
0x9f: {  	v21 =	vadd.f32 v26, v6;
	v26 =	vnsel vm1, $0x0, v29;
	v27 =	vsub.f32 $3.175000100e-02, v13  }
0xa0: {  	vm1 =	vlt.f32 v13, $5.000000240e-04;
	v10 =	vadd.f32 v26, v10;
	v14 =	vadd.f32 v18, v14;
	v18 =	vld [tilespmem:s23+$0x10]  }
0xa1: {  	v15 =	vadd.f32 v17, v15;
	v26 =	vnsel vm1, $0x0, v27;
	v17 =	vadd.f32 v22, v6;
	v22 =	vld [tilespmem:s21+$0x0]  }
0xa2: {  	v16 =	vadd.f32 v16, v19;
	v12 =	vsub.f32 v30, v12;
	v19 =	vmul.f32 v24, v9;
	v24 =	vld [tilespmem:s20+$0x10]  }
0xa3: {  	v10 =	vadd.f32 v26, v10;
	v26 =	vmin.f32 v11, v13;
	v14 =	vsub.f32 v17, v14;
	v17 =	vld [tilespmem:s23+$0x20]  }
0xa4: {  	v12 =	vmax.f32 v12, $0.0e+00;
	v13 =	vsub.f32 v21, v15;
	v20 =	vmul.f32 v20, v8;
	v27 =	vld [tilespmem:s24+$0x0]  }
0xa5: {  	v16 =	vadd.f32 v25, v16;
	v15 =	vsub.f32 $3.175000100e-02, v12;
	v11 =	vmax.f32 v14, $0.0e+00;
	v25 =	vld [tilespmem:s20+$0x20]  }
0xa6: {  	vm2 =	vlt.f32 v12, $5.000000240e-04;
	v28 =	vmax.f32 v13, $0.0e+00;
	v14 =	vmul.f32 v18, v9;
	v13 =	vld [tilespmem:s21+$0x10]  }
0xa7: {  	v16 =	vsub.f32 v23, v16;
	vm1 =	vlt.f32 v28, $5.000000240e-04;
	v29 =	vmul.f32 v22, v7;
	v30 =	vld [tilespmem:s23+$0x30]  }
0xa8: {  	v18 =	vnsel vm2, $0x0, v15;
	v15 =	vsub.f32 $3.175000100e-02, v28;
	v31 =	vld [tilespmem:s21+$0x20];
	v32 =	vmul.f32 v17, v9  }
.Ltmp6:
0xa9: {  	v12 =	vmin.f32 v26, v12;
	v22 =	vmul.f32 v24, v8;
	v17 =	vmax.f32 v16, $0.0e+00;
	v16 =	vld [tilespmem:s20+$0x30];
	(pc) =	sbr.rel @p0 .LBB2_4-.Ltmp6, $4  }
0xaa: {  	v20 =	vadd.f32 v19, v20;
	vm2 =	vlt.f32 v17, $5.000000240e-04;
	v24 =	vsub.f32 $3.175000100e-02, v17;
	v21 =	vld [tilespmem:s24+$0x20]  }
0xab: {  	v12 =	vmin.f32 v12, v17;
	v14 =	vadd.f32 v14, v22;
	v25 =	vmul.f32 v25, v8;
	v17 =	vld [tilespmem:s24+$0x10]  }
0xac: {  	v23 =	vadd.f32 v27, v6;
	v12 =	vmin.f32 v12, v28;
	v22 =	vld [tilespmem:s24+$0x30];
	v19 =	vmul.f32 v30, v9  }
0xad: {  	s23 =	sadd.s32 $0x80, s23;
	v27 =	vadd.f32 v29, v20;
	v25 =	vadd.f32 v32, v25;
	s24 =	sadd.s32 $0x80, s24;
	v26 =	vmul.f32 v31, v7;
	v20 =	vld [tilespmem:s21+$0x30]  }
0xae: {  	v10 =	vadd.f32 v18, v10;
	v49 =	vnsel vm2, $0x0, v24  }
0xaf: {  	v13 =	vmul.f32 v13, v7;
	v50 =	vsub.f32 $3.175000100e-02, v11;
	v21 =	vadd.f32 v21, v6  }
0xb0: {  	v16 =	vmul.f32 v16, v8;
	v51 =	vsub.f32 v23, v27;
	v52 =	vadd.f32 v26, v25  }
0xb1: {  	v15 =	vnsel vm1, $0x0, v15;
	v10 =	vadd.f32 v49, v10;
	v17 =	vadd.f32 v17, v6  }
0xb2: {  	vm1 =	vlt.f32 v11, $5.000000240e-04;
	v13 =	vadd.f32 v13, v14;
	v53 =	vadd.f32 v19, v16  }
0xb3: {  	v56 =	vnsel vm1, $0x0, v50;
	v22 =	vadd.f32 v22, v6;
	v18 =	vmax.f32 v51, $0.0e+00  }
0xb4: {  	v55 =	vmul.f32 v20, v7;
	v10 =	vadd.f32 v15, v10;
	v13 =	vsub.f32 v17, v13  }
0xb5: {  	v57 =	vsub.f32 v21, v52;
	v54 =	vsub.f32 $3.175000100e-02, v18;
	vm2 =	vlt.f32 v18, $5.000000240e-04  }
0xb6: {  	v14 =	vadd.f32 v55, v53;
	v10 =	vadd.f32 v56, v10;
	v13 =	vmax.f32 v13, $0.0e+00  }
0xb7: {  	v17 =	vmax.f32 v57, $0.0e+00;
	v58 =	vnsel vm2, $0x0, v54;
	v59 =	vsub.f32 $3.175000100e-02, v13  }
0xb8: {  	vm1 =	vlt.f32 v13, $5.000000240e-04;
	v14 =	vsub.f32 v22, v14;
	v10 =	vadd.f32 v58, v10  }
0xb9: {  	v60 =	vsub.f32 $3.175000100e-02, v17;
	v16 =	vnsel vm1, $0x0, v59  }
0xba: {  	vm1 =	vlt.f32 v17, $5.000000240e-04;
	v10 =	vadd.f32 v16, v10;
	v14 =	vmax.f32 v14, $0.0e+00  }
0xbb: {  	v15 =	vnsel vm1, $0x0, v60;
	v61 =	vsub.f32 $3.175000100e-02, v14  }
0xbc: {  	vm1 =	vlt.f32 v14, $5.000000240e-04;
	v10 =	vadd.f32 v15, v10  }
0xbd: {  	v62 =	vnsel vm1, $0x0, v61  }
0xbe: {  	v10 =	vadd.f32 v62, v10;
	_ =	sdelay $0x1  }
0xbf: {  	(xrf2) =	vadd.scan.msk.f32 $0xffff, v10;
	_ =	sdelay $0x7  }
0xc0: {  	v11 =	vmin.f32 v12, v11  }
0xc1: {  	v11 =	vmin.f32 v11, v18  }
0xc2: {  	v11 =	vmin.f32 v11, v13;
	v63, _, _ =	vpop (xrf2)  }
0xc3: {  	v11 =	vmin.f32 v11, v17;
	(v2sf) =	vpush v63, $0xF  }
0xc4: {  	v11 =	vmin.f32 v11, v14  }
0xc5: {  	(xrf0) =	vmin.scan.msk.f32 $0xffff, v11;
	_ =	sdelay $0x5  }
0xc6: {  	v11, _, _ =	vpop (xrf0)  }
0xc7: {  	(v2sf) =	vpush v11, $0xF;
	_ =	sdelay $0x5  }
0xc8: {  	s22 =	spop (v2sf)  }
0xc9: {  	s20 =	smul.f32 $3.200000000e+01, s22;
	_ =	sdelay $0x1  }
0xca: {  	s20 =	sadd.f32 $2.500000000e-01, s20;
	_ =	sdelay $0x1  }
0xcb: {  	s20 =	scvt.f32.s32 s20;
	_ =	sdelay $0x1  }
0xcc: {  	p0 =	slt.s32 s20, $0x9  }
.Ltmp7:
0xcd: {  	_ = 	snop;
	(pc) =	sbr.rel @p0 .LBB2_23-.Ltmp7, $4  }
0xce: {  	s21 =	spop (v2sf)  }
0xcf: {  	s24 =	ssub.f32 $5.000000240e-04, s21;
	s23 =	scvt.s32.f32 s20  }
0xd0: {  	_ = 	snop  }
0xd1: {  	s20 =	smax.f32 s24, $0.0e+00;
	s21 =	smul.f32 $3.125000000e-02, s23  }
0xd2: {  	s23 =	simm.s32 $0x0  }
0xd3: {  	s24 =	simm.s32 $0x1000;
	v11 =	vld [tilespmem:s23+$0x0]  }
0xd4: {  	v12 =	vld [tilespmem:s24+$0x0]  }
0xd5: {  	s26 =	simm.s32 $0x2000  }
0xd6: {  	v15 =	vld [tilespmem:s26+$0x0]  }
0xd7: {  	s31 =	simm.s32 $0x3000  }
0xd8: {  	s25 =	simm.s32 $0x1010;
	v16 =	vld [tilespmem:s31+$0x0]  }
0xd9: {  	s24 =	simm.s32 $0x10;
	v14 =	vld [tilespmem:s25+$0x0];
	v11 =	vmul.f32 v11, v8;
	v12 =	vmul.f32 v12, v9  }
0xda: {  	v13 =	vld [tilespmem:s24+$0x0]  }
0xdb: {  	s26 =	simm.s32 $0x2010;
	v18 =	vmul.f32 v15, v7;
	v17 =	vadd.f32 v12, v11  }
0xdc: {  	v15 =	vld [tilespmem:s26+$0x0]  }
0xdd: {  	s28 =	simm.s32 $0x3010;
	v17 =	vadd.f32 v18, v17;
	v18 =	vadd.f32 v16, v6  }
0xde: {  	s29 =	simm.s32 $0x20;
	s30 =	simm.s32 $0x20;
	v12 =	vimm.f32 $3.000000010e+38;
	v11 =	vimm.s32 $0xFFFFFFFF;
	v16 =	vld [tilespmem:s28+$0x0]  }
.LBB2_7:
0xdf: {  	v19 =	vmul.f32 v13, v8;
	v13 =	vld [tilespmem:s30+$0x0];
	v20 =	vmul.f32 v14, v9;
	s25 =	sadd.s32 $0x10, s25;
	v17 =	vsub.f32 v18, v17;
	s31 =	smov.u32 s29;
	p0 =	sne.s32 s29, $0xFF0  }
.Ltmp8:
0xe0: {  	s29 =	sadd.s32 $0x10, s29;
	v14 =	vld [tilespmem:s25+$0x0];
	(pc) =	sbr.rel @p0 .LBB2_7-.Ltmp8, $4  }
0xe1: {  	s26 =	sadd.s32 $0x10, s26;
	v18 =	vadd.f32 v20, v19;
	v19 =	vmul.f32 v15, v7;
	v20 =	vmax.f32 v17, $0.0e+00  }
0xe2: {  	v21 =	vor.u32 s23, v0;
	s23 =	smov.u32 s24;
	s24 =	smov.u32 s31;
	v15 =	vld [tilespmem:s26+$0x0];
	vm1 =	vlt.f32 v20, v12  }
0xe3: {  	s28 =	sadd.s32 $0x10, s28;
	v17 =	vadd.f32 v19, v18;
	v18 =	vadd.f32 v16, v6;
	v12 =	vsel vm1, v20, v12  }
0xe4: {  	s30 =	sadd.s32 $0x10, s30;
	v11 =	vsel vm1, v21, v11;
	v16 =	vld [tilespmem:s28+$0x0]  }
0xe5: {  	v13 =	vmul.f32 v13, v8;
	v14 =	vmul.f32 v14, v9;
	_ =	sdelay $0x1  }
0xe6: {  	v13 =	vadd.f32 v14, v13;
	v14 =	vmul.f32 v15, v7  }
0xe7: {  	v15 =	vsub.f32 v18, v17  }
0xe8: {  	v13 =	vadd.f32 v14, v13;
	v14 =	vadd.f32 v16, v6;
	_ =	sdelay $0x1  }
0xe9: {  	v15 =	vmax.f32 v15, $0.0e+00;
	v13 =	vsub.f32 v14, v13  }
0xea: {  	vm1 =	vlt.f32 v15, v12  }
0xeb: {  	v12 =	vsel vm1, v15, v12;
	v13 =	vmax.f32 v13, $0.0e+00  }
0xec: {  	vm2 =	vlt.f32 v13, v12  }
0xed: {  	v12 =	vsel vm2, v13, v12  }
0xee: {  	(xrf0) =	vmin.scan.msk.f32 $0xffff, v12;
	_ =	sdelay $0x5  }
0xef: {  	v13 =	vor.u32 s23, v0;
	v14, _, _ =	vpop (xrf0)  }
0xf0: {  	v11 =	vsel vm1, v13, v11;
	v13 =	vor.u32 s24, v0;
	v14 =	vbroadcast v14, $0xF  }
0xf1: {  	v11 =	vsel vm2, v13, v11  }
0xf2: {  	v11 =	vxor.u32 $0x80000000, v11;
	vm1 =	veq.f32 v12, v14  }
0xf3: {  	v11 =	vnsel vm1, $0xC0000000, v11  }
0xf4: {  	(xrf0) =	vmin.scan.msk.u32 $0xffff, v11;
	_ =	sdelay $0x5  }
0xf5: {  	v11, _, _ =	vpop (xrf0)  }
0xf6: {  	(v2sf) =	vpush v11, $0xF;
	_ =	sdelay $0x6  }
0xf7: {  	s25 =	simm.s32 $0x1000  }
0xf8: {  	s30 =	simm.s32 $0x0;
	v12 =	vld [tilespmem:s25+$0x0]  }
0xf9: {  	v11 =	vld [tilespmem:s30+$0x0]  }
0xfa: {  	s26 =	simm.s32 $0x2000  }
0xfb: {  	v13 =	vld [tilespmem:s26+$0x0]  }
0xfc: {  	s31 =	simm.s32 $0x3000  }
0xfd: {  	s23 =	simm.s32 $0x10;
	v14 =	vld [tilespmem:s31+$0x0]  }
0xfe: {  	v15 =	vld [tilespmem:s23+$0x0];
	s24 =	simm.s32 $0x1010;
	v12 =	vmul.f32 v12, v9;
	v11 =	vmul.f32 v11, v8  }
0xff: {  	v16 =	vld [tilespmem:s24+$0x0];
	s25 =	spop (v2sf)  }
0x100: {  	v19 =	vmul.f32 v13, v7;
	v18 =	vadd.f32 v12, v11;
	s26 =	sxor.u32 $0x80000000, s25;
	s25 =	simm.s32 $0x2010  }
0x101: {  	v17 =	vld [tilespmem:s25+$0x0]  }
0x102: {  	v20 =	vadd.f32 v14, v6;
	v19 =	vadd.f32 v19, v18;
	v11 =	vmov s26;
	s26 =	simm.s32 $0x3010  }
0x103: {  	s28 =	simm.s32 $0x20;
	s29 =	simm.s32 $0x20;
	v13 =	vimm.s32 $0xFFFFFFFF;
	v14 =	vor.u32 s30, v0;
	v12 =	vimm.f32 $3.000000010e+38;
	v18 =	vld [tilespmem:s26+$0x0]  }
.LBB2_9:
0x104: {  	v21 =	vmul.f32 v15, v8;
	v15 =	vld [tilespmem:s29+$0x0];
	v22 =	vmul.f32 v16, v9;
	s24 =	sadd.s32 $0x10, s24;
	v19 =	vsub.f32 v20, v19;
	s30 =	smov.u32 s28;
	p0 =	sne.s32 s28, $0xFF0  }
.Ltmp9:
0x105: {  	s28 =	sadd.s32 $0x10, s28;
	vm1 =	veq.s32 v14, v11;
	v16 =	vld [tilespmem:s24+$0x0];
	(pc) =	sbr.rel @p0 .LBB2_9-.Ltmp9, $4  }
0x106: {  	s25 =	sadd.s32 $0x10, s25;
	v20 =	vadd.f32 v22, v21;
	v21 =	vmul.f32 v17, v7;
	v19 =	vmax.f32 v19, $0.0e+00  }
0x107: {  	v17 =	vld [tilespmem:s25+$0x0];
	v22 =	vsel vm1, $0x7F61B1E6, v19  }
0x108: {  	s26 =	sadd.s32 $0x10, s26;
	v19 =	vadd.f32 v21, v20;
	v20 =	vadd.f32 v18, v6;
	vm1 =	vlt.f32 v22, v12  }
0x109: {  	s29 =	sadd.s32 $0x10, s29;
	v18 =	vld [tilespmem:s26+$0x0];
	v12 =	vsel vm1, v22, v12;
	v13 =	vsel vm1, v14, v13;
	v14 =	vor.u32 s23, v0;
	s23 =	smov.u32 s30  }
0x10a: {  	v15 =	vmul.f32 v15, v8;
	v16 =	vmul.f32 v16, v9;
	_ =	sdelay $0x1  }
0x10b: {  	v15 =	vadd.f32 v16, v15;
	v16 =	vmul.f32 v17, v7  }
0x10c: {  	v17 =	vsub.f32 v20, v19  }
0x10d: {  	v15 =	vadd.f32 v16, v15;
	v16 =	vadd.f32 v18, v6;
	_ =	sdelay $0x1  }
0x10e: {  	vm1 =	veq.s32 v14, v11;
	v17 =	vmax.f32 v17, $0.0e+00;
	v15 =	vsub.f32 v16, v15  }
0x10f: {  	v16 =	vsel vm1, $0x7F61B1E6, v17;
	v17 =	vor.u32 s23, v0  }
0x110: {  	vm1 =	vlt.f32 v16, v12;
	vm2 =	veq.s32 v17, v11;
	v15 =	vmax.f32 v15, $0.0e+00  }
0x111: {  	v12 =	vsel vm1, v16, v12;
	v15 =	vsel vm2, $0x7F61B1E6, v15  }
0x112: {  	vm2 =	vlt.f32 v15, v12  }
0x113: {  	v15 =	vsel vm2, v15, v12  }
0x114: {  	(xrf0) =	vmin.scan.msk.f32 $0xffff, v15;
	_ =	sdelay $0x5  }
0x115: {  	v12, _, _ =	vpop (xrf0)  }
0x116: {  	v13 =	vsel vm1, v14, v13;
	v14 =	vbroadcast v12, $0xF  }
0x117: {  	v13 =	vsel vm2, v17, v13  }
0x118: {  	v13 =	vxor.u32 $0x80000000, v13;
	vm1 =	veq.f32 v15, v14  }
0x119: {  	v13 =	vnsel vm1, $0xC0000000, v13  }
0x11a: {  	(xrf0) =	vmin.scan.msk.u32 $0xffff, v13;
	_ =	sdelay $0x5  }
0x11b: {  	v13, _, _ =	vpop (xrf0)  }
0x11c: {  	(v2sf) =	vpush v13, $0xF;
	_ =	sdelay $0x3  }
0x11d: {  	s24 =	simm.s32 $0x1000  }
0x11e: {  	s23 =	simm.s32 $0x0;
	v14 =	vld [tilespmem:s24+$0x0]  }
0x11f: {  	v13 =	vld [tilespmem:s23+$0x0]  }
0x120: {  	s26 =	simm.s32 $0x2000  }
0x121: {  	s31 =	simm.s32 $0x1010;
	v15 =	vld [tilespmem:s26+$0x0]  }
0x122: {  	s30 =	simm.s32 $0x3000;
	v18 =	vld [tilespmem:s31+$0x0]  }
0x123: {  	v16 =	vld [tilespmem:s30+$0x0];
	s26 =	simm.s32 $0x10  }
0x124: {  	v17 =	vld [tilespmem:s26+$0x0];
	v14 =	vmul.f32 v14, v9;
	v13 =	vmul.f32 v13, v8;
	_ =	sdelay $0x1  }
0x125: {  	s30 =	simm.s32 $0x2010;
	v15 =	vmul.f32 v15, v7;
	v19 =	vadd.f32 v14, v13  }
0x126: {  	s31 =	simm.s32 $0x3010;
	v20 =	vld [tilespmem:s30+$0x0]  }
0x127: {  	v21 =	vld [tilespmem:s31+$0x0];
	v16 =	vadd.f32 v16, v6;
	v15 =	vadd.f32 v15, v19;
	s25 =	spop (v2sf)  }
0x128: {  	v18 =	vmul.f32 v18, v9;
	v14 =	vor.u32 s23, v0;
	s23 =	simm.s32 $0x20;
	v19 =	vmul.f32 v17, v8;
	s25 =	sxor.u32 $0x80000000, s25  }
0x129: {  	v24 =	vimm.f32 $3.000000010e+38;
	s24 =	simm.s32 $0x1020;
	v17 =	vld [tilespmem:s23+$0x0];
	v15 =	vsub.f32 v16, v15;
	v13 =	vmov s25  }
0x12a: {  	vm1 =	vne.s32 v14, v11;
	v18 =	vadd.f32 v18, v19;
	v19 =	vld [tilespmem:s24+$0x0];
	vm2 =	vne.s32 v14, v13  }
0x12b: {  	v22 =	vmul.f32 v20, v7;
	v20 =	vmax.f32 v15, $0.0e+00;
	s25 =	simm.s32 $0x2020;
	vm1 =	vmand vm1, vm2  }
0x12c: {  	v23 =	vadd.f32 v21, v6;
	v16 =	vor.u32 s26, v0;
	v25 =	vnsel vm1, $0x7F61B1E6, v20;
	v20 =	vld [tilespmem:s25+$0x0]  }
0x12d: {  	s26 =	simm.s32 $0x3020;
	v15 =	vimm.s32 $0xFFFFFFFF;
	v22 =	vadd.f32 v22, v18;
	vm1 =	vlt.f32 v25, v24  }
0x12e: {  	s28 =	simm.s32 $0x30;
	s29 =	simm.s32 $0x30;
	v21 =	vld [tilespmem:s26+$0x0];
	vm3 =	vne.s32 v16, v13;
	vm2 =	vne.s32 v16, v11;
	v18 =	vsel vm1, v25, v24  }
.LBB2_11:
0x12f: {  	v24 =	vmul.f32 v17, v8;
	v17 =	vld [tilespmem:s29+$0x0];
	v25 =	vmul.f32 v19, v9;
	s24 =	sadd.s32 $0x10, s24;
	v22 =	vsub.f32 v23, v22;
	s30 =	smov.u32 s28;
	p0 =	sne.s32 s28, $0xFF0  }
.Ltmp10:
0x130: {  	s28 =	sadd.s32 $0x10, s28;
	vm2 =	vmand vm2, vm3;
	v15 =	vsel vm1, v14, v15;
	v14 =	vmov v16;
	v19 =	vld [tilespmem:s24+$0x0];
	(pc) =	sbr.rel @p0 .LBB2_11-.Ltmp10, $4  }
0x131: {  	s25 =	sadd.s32 $0x10, s25;
	v23 =	vadd.f32 v25, v24;
	v24 =	vmul.f32 v20, v7;
	v22 =	vmax.f32 v22, $0.0e+00  }
0x132: {  	v16 =	vor.u32 s23, v0;
	s23 =	smov.u32 s30;
	v20 =	vld [tilespmem:s25+$0x0];
	v25 =	vnsel vm2, $0x7F61B1E6, v22  }
0x133: {  	s26 =	sadd.s32 $0x10, s26;
	v22 =	vadd.f32 v24, v23;
	v23 =	vadd.f32 v21, v6;
	vm1 =	vlt.f32 v25, v18  }
0x134: {  	s29 =	sadd.s32 $0x10, s29;
	vm3 =	vne.s32 v16, v13;
	vm2 =	vne.s32 v16, v11;
	v21 =	vld [tilespmem:s26+$0x0];
	v18 =	vsel vm1, v25, v18  }
0x135: {  	v17 =	vmul.f32 v17, v8;
	v19 =	vmul.f32 v19, v9;
	_ =	sdelay $0x1  }
0x136: {  	v17 =	vadd.f32 v19, v17;
	v19 =	vmul.f32 v20, v7  }
0x137: {  	v20 =	vsub.f32 v23, v22  }
0x138: {  	v17 =	vadd.f32 v19, v17;
	v19 =	vadd.f32 v21, v6  }
0x139: {  	vm2 =	vmand vm2, vm3  }
0x13a: {  	v20 =	vmax.f32 v20, $0.0e+00;
	v21 =	vor.u32 s23, v0;
	v17 =	vsub.f32 v19, v17  }
0x13b: {  	vm3 =	vne.s32 v21, v13;
	v19 =	vnsel vm2, $0x7F61B1E6, v20;
	vm2 =	vne.s32 v21, v11  }
0x13c: {  	vm2 =	vmand vm2, vm3;
	vm3 =	vlt.f32 v19, v18;
	v17 =	vmax.f32 v17, $0.0e+00  }
0x13d: {  	v18 =	vsel vm3, v19, v18;
	v17 =	vnsel vm2, $0x7F61B1E6, v17  }
0x13e: {  	vm2 =	vlt.f32 v17, v18  }
0x13f: {  	v17 =	vsel vm2, v17, v18  }
0x140: {  	(xrf0) =	vmin.scan.msk.f32 $0xffff, v17;
	_ =	sdelay $0x5  }
0x141: {  	v15 =	vsel vm1, v14, v15;
	v14, _, _ =	vpop (xrf0)  }
0x142: {  	v15 =	vsel vm3, v16, v15;
	v16 =	vbroadcast v14, $0xF  }
0x143: {  	v15 =	vsel vm2, v21, v15  }
0x144: {  	v15 =	vxor.u32 $0x80000000, v15;
	vm1 =	veq.f32 v17, v16  }
0x145: {  	v15 =	vnsel vm1, $0xC0000000, v15  }
0x146: {  	(xrf0) =	vmin.scan.msk.u32 $0xffff, v15;
	_ =	sdelay $0x5  }
0x147: {  	v15, _, _ =	vpop (xrf0)  }
0x148: {  	(v2sf) =	vpush v15, $0xF;
	_ =	sdelay $0x1  }
0x149: {  	s25 =	simm.s32 $0x10  }
0x14a: {  	s30 =	simm.s32 $0x3000;
	v19 =	vld [tilespmem:s25+$0x0]  }
0x14b: {  	s24 =	simm.s32 $0x1000;
	v18 =	vld [tilespmem:s30+$0x0]  }
0x14c: {  	s23 =	simm.s32 $0x0;
	v16 =	vld [tilespmem:s24+$0x0]  }
0x14d: {  	s31 =	simm.s32 $0x1010;
	v15 =	vld [tilespmem:s23+$0x0]  }
0x14e: {  	s26 =	simm.s32 $0x2000;
	v21 =	vld [tilespmem:s31+$0x0]  }
0x14f: {  	s30 =	simm.s32 $0x2010;
	v17 =	vld [tilespmem:s26+$0x0]  }
0x150: {  	v22 =	vld [tilespmem:s30+$0x0];
	_ =	sdelay $0x1  }
0x151: {  	v20 =	vmul.f32 v16, v9;
	v15 =	vmul.f32 v15, v8  }
0x152: {  	v24 =	vmul.f32 v19, v8;
	v21 =	vmul.f32 v21, v9  }
0x153: {  	v17 =	vmul.f32 v17, v7;
	v20 =	vadd.f32 v20, v15  }
0x154: {  	v26 =	vmul.f32 v22, v7;
	v24 =	vadd.f32 v21, v24  }
0x155: {  	s31 =	simm.s32 $0x3010;
	v18 =	vadd.f32 v18, v6;
	v16 =	vor.u32 s23, v0;
	v17 =	vadd.f32 v17, v20;
	s26 =	spop (v2sf)  }
0x156: {  	v23 =	vld [tilespmem:s31+$0x0];
	v24 =	vadd.f32 v26, v24;
	s24 =	simm.s32 $0x1020;
	vm1 =	vne.s32 v16, v11;
	s26 =	sxor.u32 $0x80000000, s26  }
0x157: {  	v21 =	vld [tilespmem:s24+$0x0];
	vm2 =	vne.s32 v16, v13;
	s23 =	simm.s32 $0x20;
	v25 =	vsub.f32 v18, v17;
	v15 =	vmov s26  }
0x158: {  	vm1 =	vmand vm1, vm2;
	v19 =	vld [tilespmem:s23+$0x0];
	v20 =	vimm.f32 $3.000000010e+38;
	vm2 =	vne.s32 v16, v15  }
0x159: {  	v18 =	vor.u32 s25, v0;
	s25 =	simm.s32 $0x2020;
	v22 =	vmax.f32 v25, $0.0e+00;
	vm1 =	vmand vm2, vm1  }
0x15a: {  	v17 =	vimm.s32 $0xFFFFFFFF;
	vm3 =	vne.s32 v18, v13;
	v27 =	vnsel vm1, $0x7F61B1E6, v22;
	v22 =	vld [tilespmem:s25+$0x0]  }
0x15b: {  	v25 =	vadd.f32 v23, v6;
	s26 =	simm.s32 $0x3020;
	vm2 =	vne.s32 v18, v11;
	vm1 =	vlt.f32 v27, v20  }
0x15c: {  	s28 =	simm.s32 $0x30;
	s29 =	simm.s32 $0x30;
	v23 =	vld [tilespmem:s26+$0x0];
	vm2 =	vmand vm2, vm3;
	vm3 =	vne.s32 v18, v15;
	v20 =	vsel vm1, v27, v20  }
.LBB2_13:
0x15d: {  	v26 =	vmul.f32 v19, v8;
	v19 =	vld [tilespmem:s29+$0x0];
	v27 =	vmul.f32 v21, v9;
	s24 =	sadd.s32 $0x10, s24;
	v24 =	vsub.f32 v25, v24;
	s30 =	smov.u32 s28;
	p0 =	sne.s32 s28, $0xFF0  }
.Ltmp11:
0x15e: {  	s28 =	sadd.s32 $0x10, s28;
	vm2 =	vmand vm3, vm2;
	v17 =	vsel vm1, v16, v17;
	v16 =	vmovc v18;
	v18 =	vor.u32 s23, v0;
	v21 =	vld [tilespmem:s24+$0x0];
	(pc) =	sbr.rel @p0 .LBB2_13-.Ltmp11, $4  }
0x15f: {  	s25 =	sadd.s32 $0x10, s25;
	s23 =	smov.u32 s30;
	v25 =	vadd.f32 v27, v26;
	v26 =	vmul.f32 v22, v7;
	v24 =	vmax.f32 v24, $0.0e+00  }
0x160: {  	vm3 =	vne.s32 v18, v11;
	vm4 =	vne.s32 v18, v13;
	v22 =	vld [tilespmem:s25+$0x0];
	v27 =	vnsel vm2, $0x7F61B1E6, v24  }
0x161: {  	s26 =	sadd.s32 $0x10, s26;
	v24 =	vadd.f32 v26, v25;
	v25 =	vadd.f32 v23, v6;
	vm1 =	vlt.f32 v27, v20  }
0x162: {  	s29 =	sadd.s32 $0x10, s29;
	vm2 =	vmand vm3, vm4;
	vm3 =	vne.s32 v18, v15;
	v23 =	vld [tilespmem:s26+$0x0];
	v20 =	vsel vm1, v27, v20  }
0x163: {  	v19 =	vmul.f32 v19, v8;
	v21 =	vmul.f32 v21, v9;
	_ =	sdelay $0x1  }
0x164: {  	v19 =	vadd.f32 v21, v19;
	v21 =	vmul.f32 v22, v7  }
0x165: {  	v22 =	vsub.f32 v25, v24  }
0x166: {  	v19 =	vadd.f32 v21, v19;
	v21 =	vadd.f32 v23, v6  }
0x167: {  	vm2 =	vmand vm3, vm2;
	v23 =	vor.u32 s23, v0;
	v22 =	vmax.f32 v22, $0.0e+00  }
0x168: {  	vm3 =	vne.s32 v23, v11;
	vm4 =	vne.s32 v23, v13;
	v19 =	vsub.f32 v21, v19  }
0x169: {  	v21 =	vnsel vm2, $0x7F61B1E6, v22;
	vm2 =	vmand vm3, vm4;
	vm3 =	vne.s32 v23, v15  }
0x16a: {  	vm2 =	vmand vm3, vm2;
	vm3 =	vlt.f32 v21, v20;
	v19 =	vmax.f32 v19, $0.0e+00  }
0x16b: {  	v20 =	vsel vm3, v21, v20;
	v19 =	vnsel vm2, $0x7F61B1E6, v19  }
0x16c: {  	vm2 =	vlt.f32 v19, v20  }
0x16d: {  	v19 =	vsel vm2, v19, v20  }
0x16e: {  	(xrf0) =	vmin.scan.msk.f32 $0xffff, v19;
	_ =	sdelay $0x5  }
0x16f: {  	v17 =	vsel vm1, v16, v17;
	v16, _, _ =	vpop (xrf0)  }
0x170: {  	v17 =	vsel vm3, v18, v17;
	v18 =	vbroadcast v16, $0xF  }
0x171: {  	v17 =	vsel vm2, v23, v17  }
0x172: {  	v17 =	vxor.u32 $0x80000000, v17;
	vm1 =	veq.f32 v19, v18  }
0x173: {  	v17 =	vnsel vm1, $0xC0000000, v17  }
0x174: {  	(xrf0) =	vmin.scan.msk.u32 $0xffff, v17;
	_ =	sdelay $0x5  }
0x175: {  	v17, _, _ =	vpop (xrf0)  }
0x176: {  	(v2sf) =	vpush v17, $0xF;
	_ =	sdelay $0x6  }
0x177: {  	s25 =	simm.s32 $0x1000  }
0x178: {  	s24 =	simm.s32 $0x0;
	v18 =	vld [tilespmem:s25+$0x0]  }
0x179: {  	v17 =	vld [tilespmem:s24+$0x0]  }
0x17a: {  	s26 =	simm.s32 $0x2000  }
0x17b: {  	v19 =	vld [tilespmem:s26+$0x0]  }
0x17c: {  	s31 =	simm.s32 $0x3000  }
0x17d: {  	s23 =	simm.s32 $0x10;
	v21 =	vld [tilespmem:s31+$0x0]  }
0x17e: {  	v23 =	vld [tilespmem:s23+$0x0];
	v18 =	vmul.f32 v18, v9;
	v17 =	vmul.f32 v17, v8  }
0x17f: {  	s26 =	simm.s32 $0x1010;
	s25 =	spop (v2sf)  }
0x180: {  	v24 =	vld [tilespmem:s26+$0x0];
	v19 =	vmul.f32 v19, v7;
	v22 =	vadd.f32 v18, v17;
	s25 =	sxor.u32 $0x80000000, s25  }
0x181: {  	v20 =	vimm.f32 $3.000000010e+38;
	v17 =	vmov s25;
	s25 =	simm.s32 $0x2010  }
0x182: {  	v21 =	vadd.f32 v21, v6;
	v18 =	vor.u32 s24, v0;
	v19 =	vadd.f32 v19, v22;
	v26 =	vld [tilespmem:s25+$0x0]  }
0x183: {  	v27 =	vmul.f32 v23, v8;
	s26 =	simm.s32 $0x3010;
	vm1 =	vne.s32 v18, v11;
	vm2 =	vne.s32 v18, v13  }
0x184: {  	vm1 =	vmand vm1, vm2;
	vm2 =	vne.s32 v18, v15;
	v22 =	vld [tilespmem:s26+$0x0];
	v25 =	vsub.f32 v21, v19  }
0x185: {  	s28 =	simm.s32 $0x1020;
	v24 =	vmul.f32 v24, v9;
	vm1 =	vmand vm2, vm1;
	vm3 =	vne.s32 v18, v17  }
0x186: {  	v23 =	vld [tilespmem:s28+$0x0];
	s24 =	simm.s32 $0x20;
	v19 =	vimm.s32 $0xFFFFFFFF;
	v28 =	vmax.f32 v25, $0.0e+00;
	vm1 =	vmand vm3, vm1  }
0x187: {  	s29 =	simm.s32 $0x30;
	s30 =	simm.s32 $0x20;
	v21 =	vld [tilespmem:s24+$0x0];
	v25 =	vadd.f32 v24, v27;
	v24 =	vnsel vm1, $0x7F61B1E6, v28;
	v26 =	vmul.f32 v26, v7  }
.LBB2_15:
0x188: {  	p0 =	sne.s32 s29, $0xFF0;
	v27 =	vor.u32 s23, v0;
	s25 =	sadd.s32 $0x10, s25;
	vm1 =	vlt.f32 v24, v20;
	s23 =	smov.u32 s24  }
0x189: {  	s24 =	smov.u32 s29;
	v28 =	vld [tilespmem:s25+$0x0];
	v25 =	vadd.f32 v26, v25;
	v26 =	vadd.f32 v22, v6;
	v20 =	vsel vm1, v24, v20  }
.Ltmp12:
0x18a: {  	s26 =	sadd.s32 $0x10, s26;
	vm2 =	vne.s32 v27, v11;
	vm3 =	vne.s32 v27, v13;
	vm4 =	vne.s32 v27, v17;
	(pc) =	sbr.rel @p0 .LBB2_15-.Ltmp12, $4  }
0x18b: {  	vm2 =	vmand vm2, vm3;
	vm3 =	vne.s32 v27, v15;
	v22 =	vld [tilespmem:s26+$0x0];
	v24 =	vsub.f32 v26, v25  }
0x18c: {  	s30 =	sadd.s32 $0x10, s30;
	v25 =	vmul.f32 v21, v8;
	vm2 =	vmand vm3, vm2;
	v26 =	vmul.f32 v23, v9  }
0x18d: {  	s28 =	sadd.s32 $0x10, s28;
	v19 =	vsel vm1, v18, v19;
	v18 =	vmovc v27;
	vm2 =	vmand vm4, vm2;
	v21 =	vld [tilespmem:s30+$0x0];
	v24 =	vmax.f32 v24, $0.0e+00  }
0x18e: {  	s29 =	sadd.s32 $0x10, s29;
	v23 =	vld [tilespmem:s28+$0x0];
	v25 =	vadd.f32 v26, v25;
	v26 =	vmul.f32 v28, v7;
	v24 =	vnsel vm2, $0x7F61B1E6, v24  }
0x18f: {  	s25 =	sadd.s32 $0x10, s25  }
0x190: {  	v27 =	vld [tilespmem:s25+$0x0]  }
0x191: {  	v28 =	vor.u32 s23, v0;
	vm1 =	vlt.f32 v24, v20;
	s26 =	sadd.s32 $0x10, s26  }
0x192: {  	v25 =	vadd.f32 v26, v25;
	v22 =	vadd.f32 v22, v6;
	vm2 =	vne.s32 v28, v11;
	v26 =	vld [tilespmem:s26+$0x0]  }
0x193: {  	vm3 =	vne.s32 v28, v13;
	v21 =	vmul.f32 v21, v8;
	v23 =	vmul.f32 v23, v9  }
0x194: {  	v20 =	vsel vm1, v24, v20;
	vm4 =	vne.s32 v28, v17;
	vm2 =	vmand vm2, vm3  }
0x195: {  	vm3 =	vne.s32 v28, v15;
	v21 =	vadd.f32 v23, v21;
	v23 =	vmul.f32 v27, v7  }
0x196: {  	v24 =	vor.u32 s24, v0;
	v22 =	vsub.f32 v22, v25;
	vm2 =	vmand vm3, vm2  }
0x197: {  	vm3 =	vne.s32 v24, v11;
	v21 =	vadd.f32 v23, v21;
	v23 =	vadd.f32 v26, v6  }
0x198: {  	vm2 =	vmand vm4, vm2;
	vm4 =	vne.s32 v24, v13;
	v22 =	vmax.f32 v22, $0.0e+00  }
0x199: {  	vm3 =	vmand vm3, vm4;
	vm4 =	vne.s32 v24, v15;
	v21 =	vsub.f32 v23, v21  }
0x19a: {  	v22 =	vnsel vm2, $0x7F61B1E6, v22;
	vm2 =	vne.s32 v24, v17;
	vm3 =	vmand vm4, vm3  }
0x19b: {  	vm4 =	vlt.f32 v22, v20;
	vm2 =	vmand vm2, vm3;
	v21 =	vmax.f32 v21, $0.0e+00  }
0x19c: {  	v20 =	vsel vm4, v22, v20;
	v21 =	vnsel vm2, $0x7F61B1E6, v21  }
0x19d: {  	vm2 =	vlt.f32 v21, v20  }
0x19e: {  	v20 =	vsel vm2, v21, v20  }
0x19f: {  	(xrf0) =	vmin.scan.msk.f32 $0xffff, v20;
	_ =	sdelay $0x5  }
0x1a0: {  	v19 =	vsel vm1, v18, v19;
	v18, _, _ =	vpop (xrf0)  }
0x1a1: {  	v19 =	vsel vm4, v28, v19;
	v21 =	vbroadcast v18, $0xF  }
0x1a2: {  	v19 =	vsel vm2, v24, v19  }
0x1a3: {  	v19 =	vxor.u32 $0x80000000, v19;
	vm1 =	veq.f32 v20, v21  }
0x1a4: {  	v19 =	vnsel vm1, $0xC0000000, v19  }
0x1a5: {  	(xrf0) =	vmin.scan.msk.u32 $0xffff, v19;
	_ =	sdelay $0x5  }
0x1a6: {  	v19, _, _ =	vpop (xrf0)  }
0x1a7: {  	(v2sf) =	vpush v19, $0xF;
	_ =	sdelay $0x3  }
0x1a8: {  	s30 =	simm.s32 $0x1000  }
0x1a9: {  	s23 =	simm.s32 $0x0;
	v20 =	vld [tilespmem:s30+$0x0]  }
0x1aa: {  	v19 =	vld [tilespmem:s23+$0x0]  }
0x1ab: {  	s31 =	simm.s32 $0x2000  }
0x1ac: {  	s25 =	simm.s32 $0x3000;
	v21 =	vld [tilespmem:s31+$0x0]  }
0x1ad: {  	v22 =	vld [tilespmem:s25+$0x0]  }
0x1ae: {  	s26 =	simm.s32 $0x10  }
0x1af: {  	v24 =	vld [tilespmem:s26+$0x0];
	v23 =	vmul.f32 v20, v9;
	v19 =	vmul.f32 v19, v8;
	_ =	sdelay $0x1  }
0x1b0: {  	s30 =	simm.s32 $0x1010;
	v20 =	vor.u32 s23, v0;
	v21 =	vmul.f32 v21, v7;
	v19 =	vadd.f32 v23, v19  }
0x1b1: {  	v22 =	vadd.f32 v22, v6;
	vm2 =	vne.s32 v20, v11;
	vm3 =	vne.s32 v20, v13;
	s23 =	simm.s32 $0x2010;
	v23 =	vld [tilespmem:s30+$0x0]  }
0x1b2: {  	vm1 =	vne.s32 v20, v15;
	vm2 =	vmand vm2, vm3;
	v26 =	vld [tilespmem:s23+$0x0];
	v21 =	vadd.f32 v21, v19;
	s31 =	spop (v2sf)  }
0x1b3: {  	v29 =	vimm.f32 $3.000000010e+38;
	v27 =	vmul.f32 v24, v8;
	vm1 =	vmand vm1, vm2;
	s25 =	sxor.u32 $0x80000000, s31  }
0x1b4: {  	vm2 =	vne.s32 v20, v17;
	v22 =	vsub.f32 v22, v21;
	v19 =	vmov s25;
	s25 =	simm.s32 $0x3010  }
0x1b5: {  	vm1 =	vmand vm2, vm1;
	v21 =	vor.u32 s26, v0;
	vm2 =	vne.s32 v20, v19;
	v25 =	vld [tilespmem:s25+$0x0]  }
0x1b6: {  	v23 =	vmul.f32 v23, v9;
	v24 =	vmax.f32 v22, $0.0e+00;
	vm1 =	vmand vm2, vm1  }
0x1b7: {  	v28 =	vmul.f32 v26, v7;
	s26 =	simm.s32 $0x1020;
	vm3 =	vne.s32 v21, v11;
	v30 =	vnsel vm1, $0x7F61B1E6, v24  }
0x1b8: {  	s24 =	simm.s32 $0x20;
	v26 =	vld [tilespmem:s26+$0x0];
	vm4 =	vne.s32 v21, v13;
	v27 =	vadd.f32 v23, v27;
	vm1 =	vlt.f32 v30, v29  }
0x1b9: {  	s28 =	simm.s32 $0x30;
	s29 =	simm.s32 $0x20;
	v22 =	vimm.s32 $0xFFFFFFFF;
	vm2 =	vne.s32 v21, v15;
	v24 =	vld [tilespmem:s24+$0x0];
	v23 =	vsel vm1, v30, v29  }
.LBB2_17:
0x1ba: {  	p0 =	sne.s32 s28, $0xFF0;
	v27 =	vadd.f32 v28, v27;
	v25 =	vadd.f32 v25, v6;
	vm3 =	vmand vm3, vm4;
	s23 =	sadd.s32 $0x10, s23  }
0x1bb: {  	v22 =	vsel vm1, v20, v22;
	v20 =	vmovc v21;
	v28 =	vld [tilespmem:s23+$0x0];
	vm2 =	vmand vm2, vm3;
	vm3 =	vne.s32 v21, v17  }
0x1bc: {  	s25 =	sadd.s32 $0x10, s25;
	v27 =	vsub.f32 v25, v27;
	vm1 =	vmand vm3, vm2;
	vm2 =	vne.s32 v20, v19  }
.Ltmp13:
0x1bd: {  	v21 =	vor.u32 s24, v0;
	s24 =	smov.u32 s28;
	v25 =	vld [tilespmem:s25+$0x0];
	vm1 =	vmand vm2, vm1;
	(pc) =	sbr.rel @p0 .LBB2_17-.Ltmp13, $4  }
0x1be: {  	v29 =	vmul.f32 v24, v8;
	v26 =	vmul.f32 v26, v9;
	v24 =	vmax.f32 v27, $0.0e+00  }
0x1bf: {  	s29 =	sadd.s32 $0x10, s29;
	vm2 =	vne.s32 v21, v15;
	v30 =	vnsel vm1, $0x7F61B1E6, v24  }
0x1c0: {  	s26 =	sadd.s32 $0x10, s26;
	v24 =	vld [tilespmem:s29+$0x0];
	v27 =	vadd.f32 v26, v29;
	v28 =	vmul.f32 v28, v7;
	vm1 =	vlt.f32 v30, v23  }
0x1c1: {  	s28 =	sadd.s32 $0x10, s28;
	vm3 =	vne.s32 v21, v11;
	vm4 =	vne.s32 v21, v13;
	v26 =	vld [tilespmem:s26+$0x0];
	v23 =	vsel vm1, v30, v23  }
0x1c2: {  	s23 =	sadd.s32 $0x10, s23  }
0x1c3: {  	v29 =	vld [tilespmem:s23+$0x0]  }
0x1c4: {  	vm3 =	vmand vm3, vm4;
	s31 =	sadd.s32 $0x10, s25  }
0x1c5: {  	v27 =	vadd.f32 v28, v27;
	vm2 =	vmand vm2, vm3;
	v28 =	vld [tilespmem:s31+$0x0]  }
0x1c6: {  	vm3 =	vne.s32 v21, v17;
	v24 =	vmul.f32 v24, v8;
	v26 =	vmul.f32 v26, v9  }
0x1c7: {  	v25 =	vadd.f32 v25, v6;
	v30 =	vor.u32 s24, v0;
	vm2 =	vmand vm3, vm2  }
0x1c8: {  	vm3 =	vne.s32 v21, v19;
	v24 =	vadd.f32 v26, v24;
	v26 =	vmul.f32 v29, v7  }
0x1c9: {  	vm4 =	vne.s32 v30, v13;
	v25 =	vsub.f32 v25, v27;
	vm2 =	vmand vm3, vm2  }
0x1ca: {  	vm3 =	vne.s32 v30, v11;
	v24 =	vadd.f32 v26, v24;
	v26 =	vadd.f32 v28, v6  }
0x1cb: {  	v25 =	vmax.f32 v25, $0.0e+00;
	vm3 =	vmand vm3, vm4;
	vm4 =	vne.s32 v30, v15  }
0x1cc: {  	vm3 =	vmand vm4, vm3;
	vm4 =	vne.s32 v30, v17;
	v24 =	vsub.f32 v26, v24  }
0x1cd: {  	v25 =	vnsel vm2, $0x7F61B1E6, v25;
	vm2 =	vmand vm4, vm3;
	vm3 =	vne.s32 v30, v19  }
0x1ce: {  	vm4 =	vlt.f32 v25, v23;
	vm2 =	vmand vm3, vm2;
	v24 =	vmax.f32 v24, $0.0e+00  }
0x1cf: {  	v23 =	vsel vm4, v25, v23;
	v24 =	vnsel vm2, $0x7F61B1E6, v24  }
0x1d0: {  	vm2 =	vlt.f32 v24, v23  }
0x1d1: {  	v23 =	vsel vm2, v24, v23  }
0x1d2: {  	(xrf0) =	vmin.scan.msk.f32 $0xffff, v23;
	_ =	sdelay $0x5  }
0x1d3: {  	v22 =	vsel vm1, v20, v22;
	v20, _, _ =	vpop (xrf0)  }
0x1d4: {  	v21 =	vsel vm4, v21, v22;
	v22 =	vbroadcast v20, $0xF  }
0x1d5: {  	v21 =	vsel vm2, v30, v21  }
0x1d6: {  	v21 =	vxor.u32 $0x80000000, v21;
	vm1 =	veq.f32 v23, v22  }
0x1d7: {  	v21 =	vnsel vm1, $0xC0000000, v21  }
0x1d8: {  	(xrf0) =	vmin.scan.msk.u32 $0xffff, v21;
	_ =	sdelay $0x5  }
0x1d9: {  	v21, _, _ =	vpop (xrf0)  }
0x1da: {  	(v2sf) =	vpush v21, $0xF;
	_ =	sdelay $0x7  }
0x1db: {  	s25 =	simm.s32 $0x1000  }
0x1dc: {  	s23 =	simm.s32 $0x0;
	v23 =	vld [tilespmem:s25+$0x0]  }
0x1dd: {  	s26 =	simm.s32 $0x2000;
	v21 =	vld [tilespmem:s23+$0x0]  }
0x1de: {  	v24 =	vld [tilespmem:s26+$0x0]  }
0x1df: {  	s30 =	simm.s32 $0x3000  }
0x1e0: {  	v25 =	vld [tilespmem:s30+$0x0]  }
0x1e1: {  	s30 =	simm.s32 $0x10  }
0x1e2: {  	v27 =	vld [tilespmem:s30+$0x0];
	v22 =	vor.u32 s23, v0;
	v23 =	vmul.f32 v23, v9;
	v26 =	vmul.f32 v21, v8;
	s31 =	spop (v2sf)  }
0x1e3: {  	v24 =	vmul.f32 v24, v7;
	vm1 =	vne.s32 v22, v11;
	vm2 =	vne.s32 v22, v13;
	s26 =	sxor.u32 $0x80000000, s31;
	s31 =	simm.s32 $0x1010  }
0x1e4: {  	vm1 =	vmand vm1, vm2;
	vm2 =	vne.s32 v22, v15;
	v23 =	vadd.f32 v23, v26;
	v26 =	vld [tilespmem:s31+$0x0]  }
0x1e5: {  	v25 =	vadd.f32 v25, v6;
	vm3 =	vne.s32 v22, v17;
	vm1 =	vmand vm2, vm1  }
0x1e6: {  	vm2 =	vne.s32 v22, v19;
	vm1 =	vmand vm3, vm1;
	s23 =	simm.s32 $0x2010;
	v24 =	vadd.f32 v24, v23  }
0x1e7: {  	v31 =	vimm.f32 $3.000000010e+38;
	v29 =	vmul.f32 v27, v8;
	vm1 =	vmand vm2, vm1;
	v28 =	vld [tilespmem:s23+$0x0]  }
0x1e8: {  	s25 =	simm.s32 $0x3010;
	v23 =	vor.u32 s30, v0;
	v25 =	vsub.f32 v25, v24;
	v21 =	vmov s26  }
0x1e9: {  	vm2 =	vne.s32 v23, v17;
	vm3 =	vne.s32 v22, v21;
	v30 =	vmul.f32 v26, v9;
	v26 =	vld [tilespmem:s25+$0x0]  }
0x1ea: {  	vm4 =	vne.s32 v23, v13;
	v25 =	vmax.f32 v25, $0.0e+00;
	vm1 =	vmand vm3, vm1  }
0x1eb: {  	s24 =	simm.s32 $0x20;
	v24 =	vimm.s32 $0xFFFFFFFF;
	vm3 =	vne.s32 v23, v11;
	v25 =	vnsel vm1, $0x7F61B1E6, v25  }
0x1ec: {  	v27 =	vld [tilespmem:s24+$0x0];
	s26 =	simm.s32 $0x1020;
	vm1 =	vlt.f32 v25, v31;
	v29 =	vadd.f32 v30, v29;
	v30 =	vmul.f32 v28, v7  }
0x1ed: {  	s28 =	simm.s32 $0x30;
	s29 =	simm.s32 $0x20;
	vm3 =	vmand vm3, vm4;
	vm4 =	vne.s32 v23, v15;
	v25 =	vsel vm1, v25, v31;
	v28 =	vld [tilespmem:s26+$0x0]  }
.LBB2_19:
0x1ee: {  	p0 =	sne.s32 s28, $0xFF0;
	v29 =	vadd.f32 v30, v29;
	v26 =	vadd.f32 v26, v6;
	vm3 =	vmand vm4, vm3;
	s23 =	sadd.s32 $0x10, s23  }
0x1ef: {  	v30 =	vor.u32 s24, v0;
	s24 =	smov.u32 s28;
	v31 =	vld [tilespmem:s23+$0x0];
	vm2 =	vmand vm2, vm3;
	vm3 =	vne.s32 v23, v19  }
0x1f0: {  	vm4 =	vne.s32 v23, v21;
	s25 =	sadd.s32 $0x10, s25;
	v29 =	vsub.f32 v26, v29;
	vm3 =	vmand vm3, vm2  }
.Ltmp14:
0x1f1: {  	v24 =	vsel vm1, v22, v24;
	v22 =	vmovc v23;
	v23 =	vmovc v30;
	vm2 =	vne.s32 v30, v17;
	v26 =	vld [tilespmem:s25+$0x0];
	vm3 =	vmand vm4, vm3;
	(pc) =	sbr.rel @p0 .LBB2_19-.Ltmp14, $4  }
0x1f2: {  	v30 =	vmul.f32 v27, v8;
	v28 =	vmul.f32 v28, v9;
	v27 =	vmax.f32 v29, $0.0e+00  }
0x1f3: {  	s29 =	sadd.s32 $0x10, s29;
	vm5 =	vne.s32 v23, v13;
	vm4 =	vne.s32 v23, v11;
	v32 =	vnsel vm3, $0x7F61B1E6, v27  }
0x1f4: {  	s26 =	sadd.s32 $0x10, s26;
	v27 =	vld [tilespmem:s29+$0x0];
	v29 =	vadd.f32 v28, v30;
	v30 =	vmul.f32 v31, v7;
	vm1 =	vlt.f32 v32, v25  }
0x1f5: {  	s28 =	sadd.s32 $0x10, s28;
	vm3 =	vmand vm4, vm5;
	vm4 =	vne.s32 v23, v15;
	v28 =	vld [tilespmem:s26+$0x0];
	v25 =	vsel vm1, v32, v25  }
0x1f6: {  	s23 =	sadd.s32 $0x10, s23  }
0x1f7: {  	s26 =	sadd.s32 $0x10, s25;
	vm3 =	vmand vm4, vm3;
	v31 =	vld [tilespmem:s23+$0x0]  }
0x1f8: {  	v29 =	vadd.f32 v30, v29;
	v30 =	vld [tilespmem:s26+$0x0];
	vm2 =	vmand vm2, vm3;
	vm3 =	vne.s32 v23, v19  }
0x1f9: {  	v26 =	vadd.f32 v26, v6;
	vm2 =	vmand vm3, vm2  }
0x1fa: {  	vm3 =	vne.s32 v23, v21;
	v27 =	vmul.f32 v27, v8;
	v28 =	vmul.f32 v28, v9  }
0x1fb: {  	v26 =	vsub.f32 v26, v29;
	vm2 =	vmand vm3, vm2  }
0x1fc: {  	v27 =	vadd.f32 v28, v27;
	v28 =	vor.u32 s24, v0;
	v31 =	vmul.f32 v31, v7  }
0x1fd: {  	v29 =	vadd.f32 v30, v6;
	vm11 =	vne.s32 v28, v11;
	vm5 =	vne.s32 v28, v13  }
0x1fe: {  	vm12 =	vne.s32 v28, v15;
	vm3 =	vmand vm11, vm5;
	v27 =	vadd.f32 v31, v27  }
0x1ff: {  	v26 =	vmax.f32 v26, $0.0e+00;
	vm13 =	vne.s32 v28, v17;
	vm3 =	vmand vm12, vm3  }
0x200: {  	vm14 =	vne.s32 v28, v19;
	vm3 =	vmand vm13, vm3;
	v27 =	vsub.f32 v29, v27  }
0x201: {  	v26 =	vnsel vm2, $0x7F61B1E6, v26;
	vm2 =	vmand vm14, vm3;
	vm3 =	vne.s32 v28, v21  }
0x202: {  	vm15 =	vlt.f32 v26, v25;
	vm2 =	vmand vm3, vm2;
	v27 =	vmax.f32 v27, $0.0e+00  }
0x203: {  	v25 =	vsel vm15, v26, v25;
	v26 =	vnsel vm2, $0x7F61B1E6, v27  }
0x204: {  	vm2 =	vlt.f32 v26, v25  }
0x205: {  	v25 =	vsel vm2, v26, v25  }
0x206: {  	(xrf0) =	vmin.scan.msk.f32 $0xffff, v25;
	_ =	sdelay $0x5  }
0x207: {  	v24 =	vsel vm1, v22, v24;
	v22, _, _ =	vpop (xrf0)  }
0x208: {  	v23 =	vsel vm15, v23, v24;
	v24 =	vbroadcast v22, $0xF  }
0x209: {  	v23 =	vsel vm2, v28, v23  }
0x20a: {  	v23 =	vxor.u32 $0x80000000, v23;
	vm1 =	veq.f32 v25, v24  }
0x20b: {  	v23 =	vnsel vm1, $0xC0000000, v23  }
0x20c: {  	(xrf0) =	vmin.scan.msk.u32 $0xffff, v23;
	_ =	sdelay $0x5  }
0x20d: {  	v23, _, _ =	vpop (xrf0)  }
0x20e: {  	(v2sf) =	vpush v23, $0xF;
	_ =	sdelay $0x5  }
0x20f: {  	s23 =	simm.s32 $0x3000  }
0x210: {  	s31 =	simm.s32 $0x1000;
	v29 =	vld [tilespmem:s23+$0x0]  }
0x211: {  	s30 =	simm.s32 $0x0;
	v24 =	vld [tilespmem:s31+$0x0]  }
0x212: {  	s24 =	simm.s32 $0x2000;
	v23 =	vld [tilespmem:s30+$0x0]  }
0x213: {  	v26 =	vld [tilespmem:s24+$0x0];
	_ =	sdelay $0x3  }
0x214: {  	v25 =	vor.u32 s30, v0;
	v28 =	vmul.f32 v24, v9;
	v27 =	vmul.f32 v23, v8  }
0x215: {  	v29 =	vadd.f32 v29, v6;
	v30 =	vmul.f32 v26, v7;
	vm1 =	vne.s32 v25, v11;
	s26 =	spop (v2sf)  }
0x216: {  	s25 =	simm.s32 $0x10;
	vm2 =	vne.s32 v25, v13;
	vm3 =	vne.s32 v25, v15;
	v28 =	vadd.f32 v28, v27;
	s26 =	sxor.u32 $0x80000000, s26  }
0x217: {  	v26 =	vld [tilespmem:s25+$0x0];
	vm2 =	vmand vm1, vm2;
	vm1 =	vne.s32 v25, v17;
	v24 =	vmov s26;
	s26 =	simm.s32 $0x1010  }
0x218: {  	s28 =	simm.s32 $0x20;
	s29 =	simm.s32 $0x10;
	vm2 =	vmand vm3, vm2;
	v23 =	vimm.f32 $3.000000010e+38;
	v28 =	vadd.f32 v30, v28;
	v27 =	vld [tilespmem:s26+$0x0]  }
.LBB2_21:
0x219: {  	p0 =	sne.s32 s28, $0xFF0;
	vm1 =	vmand vm1, vm2;
	vm2 =	vne.s32 v25, v19;
	s24 =	sadd.s32 $0x10, s24  }
0x21a: {  	v28 =	vsub.f32 v29, v28;
	v30 =	vld [tilespmem:s24+$0x0];
	vm1 =	vmand vm2, vm1;
	vm2 =	vne.s32 v25, v21  }
0x21b: {  	s23 =	sadd.s32 $0x10, s23;
	vm1 =	vmand vm2, vm1;
	vm2 =	vne.s32 v25, v24  }
0x21c: {  	v25 =	vor.u32 s25, v0;
	v28 =	vmax.f32 v28, $0.0e+00;
	s25 =	smov.u32 s28;
	v29 =	vld [tilespmem:s23+$0x0];
	vm1 =	vmand vm2, vm1  }
.Ltmp15:
0x21d: {  	v26 =	vmul.f32 v26, v8;
	v27 =	vmul.f32 v27, v9;
	v28 =	vnsel vm1, $0x7F61B1E6, v28;
	(pc) =	sbr.rel @p0 .LBB2_21-.Ltmp15, $4  }
0x21e: {  	vm2 =	vne.s32 v25, v13;
	vm1 =	vne.s32 v25, v11;
	vm3 =	vlt.f32 v28, v23  }
0x21f: {  	s29 =	sadd.s32 $0x10, s29;
	v31 =	vadd.f32 v27, v26;
	v30 =	vmul.f32 v30, v7;
	v23 =	vsel vm3, v28, v23  }
0x220: {  	s26 =	sadd.s32 $0x10, s26;
	vm2 =	vmand vm1, vm2;
	vm1 =	vne.s32 v25, v17;
	vm3 =	vne.s32 v25, v15;
	v26 =	vld [tilespmem:s29+$0x0]  }
0x221: {  	s28 =	sadd.s32 $0x10, s28;
	vm2 =	vmand vm3, vm2;
	v27 =	vld [tilespmem:s26+$0x0];
	v28 =	vadd.f32 v30, v31;
	v29 =	vadd.f32 v29, v6  }
.Ltmp16:
0x222: {  	_ = 	snop;
	(pc) =	sbr.rel .LBB2_22-.Ltmp16, $1  }
0x223: {  	_ =	sdelay $0x3  }
.LBB2_26:
0x224: {  	_ =	sfence.sel $0x180000  }
0x225: {  	[bflag:$0x0] =	sbarrier.arrive $0xFFFF  }
0x226: {  	p0 =	sne.s32 s1, $0x0;
	_ =	strace $0x90000047  }
0x227: {  	s0 =	sadd.s32 @!p0 $0x100000, s0;
	[bflag:$0x2] =	sbarrier.arrive $0xFFFF  }
0x228: {  	[sflag:s0] =	ssyncadd.tile.s32 @!p0 $0x1;
	_ =	shalt  }
.Lfunc_end2:
_tile_overlayer_lowered:
.L_overlay_start_2:
0x229: {  	(tag) =	ssettag $0x2  }
0x22a: {  	s0 =	rddreg [dreg:$0x0];
	s2 =	stileid.u32  }
0x22b: {  	s1 =	rddreg [dreg:$0x1];
	p0 =	sne.s32 s2, $0x0  }
0x22c: {  	s3 =	rddreg [dreg:$0x2];
	[bflag:$0x3] =	sbarrier.arrive $0xFFFF;
	s2 =	simm.s32 @!p0 $0x1C01  }
0x22d: {  	[timem:s3], [sflag:s2] =	dma.local @!p0 [hbm:s0], s1  }
0x22e: {  	s0 =	simm.s32 @!p0 $0x1  }
0x22f: {  	_ =	swait.ge @!p0 [sflag:s0], s1  }
0x230: {  	s1 =	ssub.s32 @!p0 $0x0, s1;
	[sflag:s0] =	ssyncset.done @!p0 $0x0  }
0x231: {  	[sflag:s0] =	ssyncadd.s32 @!p0 s1  }
0x232: {  	[bflag:$0x3] =	sbarrier.arrive $0xFFFF  }
0x233: {  	_ =	shalt  }

</sc_bundles>
